<compile_context>
chip_gen: v7x
topology: tpu7x:2x2x1
jax: 0.10.2.dev20260603
libtpu: 0.0.44.dev20260713+nightly
codegen_flags: <defaults>
</compile_context>

<pallas_src>
import jax
import jax.numpy as jnp
from jax import lax
from jax.experimental import pallas as pl
from jax.experimental.pallas import tpu as pltpu
from jax.experimental.pallas import tpu_sc as plsc

NC = 2
NS = 16
L = 16
NW = NC * NS

B, T, D = 16384, 200, 8
BT = B // 128
BT_W = BT // NW
BPW = BT_W * 128
T_C = 8
N_CHUNKS = T // T_C
N_MAIN = N_CHUNKS - 1
K = 128 // L


def _compute_chunk(idx_buf, out_buf, w_v, lane):
    jcols = [jnp.full((L,), j, jnp.int32) for j in range(D)]

    def t_body(tt, _):
        tcol = jnp.full((L,), tt, jnp.int32)

        def k_body(k, _):
            rows = [plsc.load_gather(idx_buf, [lane + (btl * 128 + k * L),
                                               tcol])
                    for btl in range(BT_W)]
            vals = [[plsc.load_gather(w_v, [rows[btl], jcols[j]])
                     for j in range(D)] for btl in range(BT_W)]
            for btl in range(BT_W):
                for j in range(D):
                    out_buf[tt, btl, j, pl.ds(k * L, L)] = vals[btl][j]
            return 0

        lax.fori_loop(0, K, k_body, 0)
        return 0

    lax.fori_loop(0, T_C, t_body, 0)


def _body(idx_hbm, w_hbm, out_hbm, w_v, idx_v0, idx_v1, out_v0, out_v1,
          sem0, sem1):
    wid = lax.axis_index("s") * NC + lax.axis_index("c")
    row0 = wid * BPW

    pltpu.sync_copy(w_hbm, w_v)

    lane = lax.iota(jnp.int32, L)
    sems = (sem0, sem1)
    idx_bufs = (idx_v0, idx_v1)
    out_bufs = (out_v0, out_v1)

    def outer(c0):
        for bb in range(2):
            c = c0 + bb
            t0 = c * T_C
            pltpu.sync_copy(
                idx_hbm.at[pl.ds(row0, BPW), pl.ds(t0, T_C)], idx_bufs[bb])

            @pl.when(c >= 2)
            def _():
                pltpu.make_async_copy(
                    out_bufs[bb],
                    out_hbm.at[pl.ds(t0 - 2 * T_C, T_C),
                               pl.ds(wid * BT_W, BT_W)],
                    sems[bb],
                ).wait()

            _compute_chunk(idx_bufs[bb], out_bufs[bb], w_v, lane)
            pltpu.async_copy(
                out_bufs[bb],
                out_hbm.at[pl.ds(t0, T_C), pl.ds(wid * BT_W, BT_W)],
                sems[bb])

    pl.loop(0, N_MAIN, step=2)(outer)

    t_tail = N_MAIN * T_C
    pltpu.make_async_copy(
        out_bufs[0],
        out_hbm.at[pl.ds(t_tail - 2 * T_C, T_C), pl.ds(wid * BT_W, BT_W)],
        sems[0],
    ).wait()
    pltpu.sync_copy(idx_hbm.at[pl.ds(row0, BPW), pl.ds(t_tail, T_C)],
                    idx_bufs[0])

    _compute_chunk(idx_bufs[0], out_bufs[0], w_v, lane)
    pltpu.async_copy(
        out_bufs[0],
        out_hbm.at[pl.ds(t_tail, T_C), pl.ds(wid * BT_W, BT_W)],
        sems[0])

    pltpu.make_async_copy(
        out_bufs[1],
        out_hbm.at[pl.ds(t_tail - T_C, T_C), pl.ds(wid * BT_W, BT_W)],
        sems[1],
    ).wait()
    pltpu.make_async_copy(
        out_bufs[0],
        out_hbm.at[pl.ds(t_tail, T_C), pl.ds(wid * BT_W, BT_W)],
        sems[0],
    ).wait()


@jax.jit
def _run(idx, W):
    mesh = plsc.VectorSubcoreMesh(core_axis_name="c", subcore_axis_name="s",
                                  num_cores=NC, num_subcores=NS)
    f = pl.kernel(
        _body,
        out_type=jax.ShapeDtypeStruct((T, BT, D, 128), jnp.float32),
        mesh=mesh,
        scratch_types=[
            pltpu.VMEM((32, 8), jnp.float32),
            pltpu.VMEM((BPW, T_C), jnp.int32),
            pltpu.VMEM((BPW, T_C), jnp.int32),
            pltpu.VMEM((T_C, BT_W, D, 128), jnp.float32),
            pltpu.VMEM((T_C, BT_W, D, 128), jnp.float32),
            pltpu.SemaphoreType.DMA,
            pltpu.SemaphoreType.DMA,
        ],
        compiler_params=pltpu.CompilerParams(needs_layout_passes=False,
                                            use_tc_tiling_on_sc=False),
    )
    return f(idx, W)


def kernel(input, W):
    x = _run(input, W)
    return jnp.transpose(x, (1, 3, 0, 2)).reshape(B, T, D)

# --- scband reference (transcript-rebuilt; emitter-appended) ---
"""Pipeline reference for scband-feature-map-24696061952364 (READ-ONLY COPY).

The authoritative reference and input builder live on the scoring server;
editing this copy changes nothing except your own understanding.
"""

import jax, jax.numpy as jnp
import numpy as np


def setup_inputs(seed: int = 0) -> dict:
    key = jax.random.key(seed)
    # forward arg: indices into the fixed feature map table
    inp = jax.random.randint(key, (16384, 200), 0, 32).astype(jnp.int32)
    # learned (frozen) parameter: weight built exactly like the torch ctor
    # feature_map[i] = [i, i+1, ..., i+7]  -> weight[i, j] = i + j
    W = (jnp.arange(32, dtype=jnp.float32)[:, None]
         + jnp.arange(8, dtype=jnp.float32)[None, :])
    return {"input": inp, "W": W}


def reference(input, W):
    # F.embedding(input, weight) == row gather from the table
    return jnp.take(W, input, axis=0)

if __name__ == "__main__":
    import jax
    _d = setup_inputs()
    print(jax.jit(kernel)(*tuple(_d.values())))

</pallas_src>

<mosaic_0001>
#map = affine_map<(d0, d1) -> (0, 0)>
#map1 = affine_map<(d0, d1) -> (0, 0, 0, 0)>
module attributes {stable_mosaic.version = 14 : i64} {
  func.func @_body(%arg0: i32, %arg1: i32, %arg2: memref<16384x200xi32, #tpu.memory_space<hbm>>, %arg3: memref<32x8xf32, #tpu.memory_space<hbm>>, %arg4: memref<200x128x8x128xf32, #tpu.memory_space<hbm>>, %arg5: memref<32x8xf32, #tpu.memory_space<vmem>>, %arg6: memref<512x8xi32, #tpu.memory_space<vmem>>, %arg7: memref<512x8xi32, #tpu.memory_space<vmem>>, %arg8: memref<8x4x8x128xf32, #tpu.memory_space<vmem>>, %arg9: memref<8x4x8x128xf32, #tpu.memory_space<vmem>>, %arg10: memref<!tpu.dma_semaphore, #tpu.memory_space<semaphore_mem>>, %arg11: memref<!tpu.dma_semaphore, #tpu.memory_space<semaphore_mem>>) attributes {dimension_semantics = [#tpu.dimension_semantics<core_parallel>, #tpu.dimension_semantics<subcore_parallel>], iteration_bounds = array<i64: 2, 16>, scalar_prefetch = 0 : i64, scratch_operands = 7 : i64, tpu.core_type = #tpu.core_type<sc_vector_subcore>, window_params = [{transform_indices = #map}, {transform_indices = #map}, {transform_indices = #map1}]} {
    %mul3A = arith.constant 2 : i32
    %mul3A_0 = arith.muli %arg1, %mul3A : i32
    %add3A = arith.addi %mul3A_0, %arg0 : i32
    %mul3A_1 = arith.constant 512 : i32
    %mul3A_2 = arith.muli %add3A, %mul3A_1 : i32
    "tpu.region"() ({
      %run_scoped3A = tpu.sem_alloc : memref<!tpu.dma_semaphore, #tpu.memory_space<semaphore_mem>>
      tpu.enqueue_dma source(%arg3 : memref<32x8xf32, #tpu.memory_space<hbm>>) target(%arg5 : memref<32x8xf32, #tpu.memory_space<vmem>>) target_semaphore(%run_scoped3A : memref<!tpu.dma_semaphore, #tpu.memory_space<semaphore_mem>>)
      tpu.wait_dma2 semaphore(%run_scoped3A : memref<!tpu.dma_semaphore, #tpu.memory_space<semaphore_mem>>) src(%arg3 : memref<32x8xf32, #tpu.memory_space<hbm>>) dst(%arg5 : memref<32x8xf32, #tpu.memory_space<vmem>>)
      tpu.yield
    }) : () -> ()
    %iota3A = tpu.iota {dimensions = array<i32: 0>} : vector<16xi32>
    %scan3A = arith.constant 0 : i32
    %scan3A_3 = arith.constant 12 : i32
    %scan3A_4 = arith.addi %scan3A, %scan3A_3 : i32
    %scan3A_5 = arith.constant 1 : i32
    scf.for %scan3A_67 = %scan3A to %scan3A_4 step %scan3A_5  : i32 {
      %mul3A_68 = arith.constant 2 : i32
      %mul3A_69 = arith.muli %scan3A_67, %mul3A_68 : i32
      %add3A_70 = arith.constant 0 : i32
      %add3A_71 = arith.addi %add3A_70, %mul3A_69 : i32
      %add3A_72 = arith.constant 0 : i32
      %add3A_73 = arith.addi %add3A_71, %add3A_72 : i32
      %mul3A_74 = arith.constant 8 : i32
      %mul3A_75 = arith.muli %add3A_73, %mul3A_74 : i32
      "tpu.region"() ({
        %run_scoped3A = tpu.sem_alloc : memref<!tpu.dma_semaphore, #tpu.memory_space<semaphore_mem>>
        %dma_start3A_149 = tpu.memref_slice %arg2[%mul3A_2, %mul3A_75] : memref<16384x200xi32, #tpu.memory_space<hbm>> -> memref<512x8xi32, #tpu.memory_space<hbm>>
        %dma_start3A_150 = tpu.memref_slice %arg2[%mul3A_2, %mul3A_75] : memref<16384x200xi32, #tpu.memory_space<hbm>> -> memref<512x8xi32, #tpu.memory_space<hbm>>
        tpu.enqueue_dma source(%dma_start3A_150 : memref<512x8xi32, #tpu.memory_space<hbm>>) target(%arg6 : memref<512x8xi32, #tpu.memory_space<vmem>>) target_semaphore(%run_scoped3A : memref<!tpu.dma_semaphore, #tpu.memory_space<semaphore_mem>>)
        %dma_wait3A_151 = tpu.memref_slice %arg2[%mul3A_2, %mul3A_75] : memref<16384x200xi32, #tpu.memory_space<hbm>> -> memref<512x8xi32, #tpu.memory_space<hbm>>
        %dma_wait3A_152 = tpu.memref_slice %arg2[%mul3A_2, %mul3A_75] : memref<16384x200xi32, #tpu.memory_space<hbm>> -> memref<512x8xi32, #tpu.memory_space<hbm>>
        tpu.wait_dma2 semaphore(%run_scoped3A : memref<!tpu.dma_semaphore, #tpu.memory_space<semaphore_mem>>) src(%dma_wait3A_152 : memref<512x8xi32, #tpu.memory_space<hbm>>) dst(%arg6 : memref<512x8xi32, #tpu.memory_space<vmem>>)
        tpu.yield
      }) : () -> ()
      %ge3A = arith.constant 2 : i32
      %ge3A_76 = arith.cmpi sge, %add3A_73, %ge3A : i32
      %convert_element_type3A = arith.extui %ge3A_76 : i1 to i32
      %cond3A = arith.constant 0 : i32
      %cond3A_77 = arith.cmpi ne, %convert_element_type3A, %cond3A : i32
      scf.if %cond3A_77 {
        %sub3A = arith.constant 16 : i32
        %sub3A_149 = arith.subi %mul3A_75, %sub3A : i32
        %mul3A_150 = arith.constant 4 : i32
        %mul3A_151 = arith.muli %add3A, %mul3A_150 : i32
        %dma_wait3A_152 = arith.constant 0 : i32
        %dma_wait3A_153 = arith.constant 0 : i32
        %dma_wait3A_154 = tpu.memref_slice %arg4[%sub3A_149, %mul3A_151, %dma_wait3A_152, %dma_wait3A_153] : memref<200x128x8x128xf32, #tpu.memory_space<hbm>> -> memref<8x4x8x128xf32, #tpu.memory_space<hbm>>
        %dma_wait3A_155 = arith.constant 0 : i32
        %dma_wait3A_156 = arith.constant 0 : i32
        %dma_wait3A_157 = tpu.memref_slice %arg4[%sub3A_149, %mul3A_151, %dma_wait3A_155, %dma_wait3A_156] : memref<200x128x8x128xf32, #tpu.memory_space<hbm>> -> memref<8x4x8x128xf32, #tpu.memory_space<hbm>>
        tpu.wait_dma2 semaphore(%arg10 : memref<!tpu.dma_semaphore, #tpu.memory_space<semaphore_mem>>) src(%arg8 : memref<8x4x8x128xf32, #tpu.memory_space<vmem>>) dst(%dma_wait3A_157 : memref<8x4x8x128xf32, #tpu.memory_space<hbm>>)
      } else {
      }
      %broadcast_in_dim3A_78 = arith.constant 0 : i32
      %broadcast_in_dim3A_79 = vector.broadcast %broadcast_in_dim3A_78 : i32 to vector<16xi32>
      %broadcast_in_dim3A_80 = arith.constant 1 : i32
      %broadcast_in_dim3A_81 = vector.broadcast %broadcast_in_dim3A_80 : i32 to vector<16xi32>
      %broadcast_in_dim3A_82 = arith.constant 2 : i32
      %broadcast_in_dim3A_83 = vector.broadcast %broadcast_in_dim3A_82 : i32 to vector<16xi32>
      %broadcast_in_dim3A_84 = arith.constant 3 : i32
      %broadcast_in_dim3A_85 = vector.broadcast %broadcast_in_dim3A_84 : i32 to vector<16xi32>
      %broadcast_in_dim3A_86 = arith.constant 4 : i32
      %broadcast_in_dim3A_87 = vector.broadcast %broadcast_in_dim3A_86 : i32 to vector<16xi32>
      %broadcast_in_dim3A_88 = arith.constant 5 : i32
      %broadcast_in_dim3A_89 = vector.broadcast %broadcast_in_dim3A_88 : i32 to vector<16xi32>
      %broadcast_in_dim3A_90 = arith.constant 6 : i32
      %broadcast_in_dim3A_91 = vector.broadcast %broadcast_in_dim3A_90 : i32 to vector<16xi32>
      %broadcast_in_dim3A_92 = arith.constant 7 : i32
      %broadcast_in_dim3A_93 = vector.broadcast %broadcast_in_dim3A_92 : i32 to vector<16xi32>
      %scan3A_94 = arith.constant 0 : i32
      %scan3A_95 = arith.constant 0 : i32
      %scan3A_96 = arith.constant 8 : i32
      %scan3A_97 = arith.addi %scan3A_95, %scan3A_96 : i32
      %scan3A_98 = arith.constant 1 : i32
      %scan3A_99 = scf.for %scan3A_149 = %scan3A_95 to %scan3A_97 step %scan3A_98 iter_args(%scan3A_150 = %scan3A_94) -> (i32)  : i32 {
        %broadcast_in_dim3A_151 = vector.broadcast %scan3A_149 : i32 to vector<16xi32>
        %scan3A_152 = arith.constant 0 : i32
        %scan3A_153 = arith.constant 0 : i32
        %scan3A_154 = arith.constant 8 : i32
        %scan3A_155 = arith.addi %scan3A_153, %scan3A_154 : i32
        %scan3A_156 = arith.constant 1 : i32
        %scan3A_157 = scf.for %scan3A_160 = %scan3A_153 to %scan3A_155 step %scan3A_156 iter_args(%scan3A_161 = %scan3A_152) -> (i32)  : i32 {
          %mul3A_162 = arith.constant 16 : i32
          %mul3A_163 = arith.muli %scan3A_160, %mul3A_162 : i32
          %add3A_164 = arith.constant 0 : i32
          %add3A_165 = arith.addi %add3A_164, %mul3A_163 : i32
          %add3A_166 = vector.broadcast %add3A_165 : i32 to vector<16xi32>
          %add3A_167 = arith.addi %iota3A, %add3A_166 : vector<16xi32>
          %gather3A = tpu.vector_load_idx %arg6[%add3A_167, %broadcast_in_dim3A_151] : memref<512x8xi32, #tpu.memory_space<vmem>>[vector<16xi32>, vector<16xi32>], vector<16xi32>,
          %mul3A_168 = arith.constant 16 : i32
          %mul3A_169 = arith.muli %scan3A_160, %mul3A_168 : i32
          %add3A_170 = arith.constant 128 : i32
          %add3A_171 = arith.addi %add3A_170, %mul3A_169 : i32
          %add3A_172 = vector.broadcast %add3A_171 : i32 to vector<16xi32>
          %add3A_173 = arith.addi %iota3A, %add3A_172 : vector<16xi32>
          %gather3A_174 = tpu.vector_load_idx %arg6[%add3A_173, %broadcast_in_dim3A_151] : memref<512x8xi32, #tpu.memory_space<vmem>>[vector<16xi32>, vector<16xi32>], vector<16xi32>,
          %mul3A_175 = arith.constant 16 : i32
          %mul3A_176 = arith.muli %scan3A_160, %mul3A_175 : i32
          %add3A_177 = arith.constant 256 : i32
          %add3A_178 = arith.addi %add3A_177, %mul3A_176 : i32
          %add3A_179 = vector.broadcast %add3A_178 : i32 to vector<16xi32>
          %add3A_180 = arith.addi %iota3A, %add3A_179 : vector<16xi32>
          %gather3A_181 = tpu.vector_load_idx %arg6[%add3A_180, %broadcast_in_dim3A_151] : memref<512x8xi32, #tpu.memory_space<vmem>>[vector<16xi32>, vector<16xi32>], vector<16xi32>,
          %mul3A_182 = arith.constant 16 : i32
          %mul3A_183 = arith.muli %scan3A_160, %mul3A_182 : i32
          %add3A_184 = arith.constant 384 : i32
          %add3A_185 = arith.addi %add3A_184, %mul3A_183 : i32
          %add3A_186 = vector.broadcast %add3A_185 : i32 to vector<16xi32>
          %add3A_187 = arith.addi %iota3A, %add3A_186 : vector<16xi32>
          %gather3A_188 = tpu.vector_load_idx %arg6[%add3A_187, %broadcast_in_dim3A_151] : memref<512x8xi32, #tpu.memory_space<vmem>>[vector<16xi32>, vector<16xi32>], vector<16xi32>,
          %gather3A_189 = tpu.vector_load_idx %arg5[%gather3A, %broadcast_in_dim3A_79] : memref<32x8xf32, #tpu.memory_space<vmem>>[vector<16xi32>, vector<16xi32>], vector<16xf32>,
          %gather3A_190 = tpu.vector_load_idx %arg5[%gather3A, %broadcast_in_dim3A_81] : memref<32x8xf32, #tpu.memory_space<vmem>>[vector<16xi32>, vector<16xi32>], vector<16xf32>,
          %gather3A_191 = tpu.vector_load_idx %arg5[%gather3A, %broadcast_in_dim3A_83] : memref<32x8xf32, #tpu.memory_space<vmem>>[vector<16xi32>, vector<16xi32>], vector<16xf32>,
          %gather3A_192 = tpu.vector_load_idx %arg5[%gather3A, %broadcast_in_dim3A_85] : memref<32x8xf32, #tpu.memory_space<vmem>>[vector<16xi32>, vector<16xi32>], vector<16xf32>,
          %gather3A_193 = tpu.vector_load_idx %arg5[%gather3A, %broadcast_in_dim3A_87] : memref<32x8xf32, #tpu.memory_space<vmem>>[vector<16xi32>, vector<16xi32>], vector<16xf32>,
          %gather3A_194 = tpu.vector_load_idx %arg5[%gather3A, %broadcast_in_dim3A_89] : memref<32x8xf32, #tpu.memory_space<vmem>>[vector<16xi32>, vector<16xi32>], vector<16xf32>,
          %gather3A_195 = tpu.vector_load_idx %arg5[%gather3A, %broadcast_in_dim3A_91] : memref<32x8xf32, #tpu.memory_space<vmem>>[vector<16xi32>, vector<16xi32>], vector<16xf32>,
          %gather3A_196 = tpu.vector_load_idx %arg5[%gather3A, %broadcast_in_dim3A_93] : memref<32x8xf32, #tpu.memory_space<vmem>>[vector<16xi32>, vector<16xi32>], vector<16xf32>,
          %gather3A_197 = tpu.vector_load_idx %arg5[%gather3A_174, %broadcast_in_dim3A_79] : memref<32x8xf32, #tpu.memory_space<vmem>>[vector<16xi32>, vector<16xi32>], vector<16xf32>,
          %gather3A_198 = tpu.vector_load_idx %arg5[%gather3A_174, %broadcast_in_dim3A_81] : memref<32x8xf32, #tpu.memory_space<vmem>>[vector<16xi32>, vector<16xi32>], vector<16xf32>,
          %gather3A_199 = tpu.vector_load_idx %arg5[%gather3A_174, %broadcast_in_dim3A_83] : memref<32x8xf32, #tpu.memory_space<vmem>>[vector<16xi32>, vector<16xi32>], vector<16xf32>,
          %gather3A_200 = tpu.vector_load_idx %arg5[%gather3A_174, %broadcast_in_dim3A_85] : memref<32x8xf32, #tpu.memory_space<vmem>>[vector<16xi32>, vector<16xi32>], vector<16xf32>,
          %gather3A_201 = tpu.vector_load_idx %arg5[%gather3A_174, %broadcast_in_dim3A_87] : memref<32x8xf32, #tpu.memory_space<vmem>>[vector<16xi32>, vector<16xi32>], vector<16xf32>,
          %gather3A_202 = tpu.vector_load_idx %arg5[%gather3A_174, %broadcast_in_dim3A_89] : memref<32x8xf32, #tpu.memory_space<vmem>>[vector<16xi32>, vector<16xi32>], vector<16xf32>,
          %gather3A_203 = tpu.vector_load_idx %arg5[%gather3A_174, %broadcast_in_dim3A_91] : memref<32x8xf32, #tpu.memory_space<vmem>>[vector<16xi32>, vector<16xi32>], vector<16xf32>,
          %gather3A_204 = tpu.vector_load_idx %arg5[%gather3A_174, %broadcast_in_dim3A_93] : memref<32x8xf32, #tpu.memory_space<vmem>>[vector<16xi32>, vector<16xi32>], vector<16xf32>,
          %gather3A_205 = tpu.vector_load_idx %arg5[%gather3A_181, %broadcast_in_dim3A_79] : memref<32x8xf32, #tpu.memory_space<vmem>>[vector<16xi32>, vector<16xi32>], vector<16xf32>,
          %gather3A_206 = tpu.vector_load_idx %arg5[%gather3A_181, %broadcast_in_dim3A_81] : memref<32x8xf32, #tpu.memory_space<vmem>>[vector<16xi32>, vector<16xi32>], vector<16xf32>,
          %gather3A_207 = tpu.vector_load_idx %arg5[%gather3A_181, %broadcast_in_dim3A_83] : memref<32x8xf32, #tpu.memory_space<vmem>>[vector<16xi32>, vector<16xi32>], vector<16xf32>,
          %gather3A_208 = tpu.vector_load_idx %arg5[%gather3A_181, %broadcast_in_dim3A_85] : memref<32x8xf32, #tpu.memory_space<vmem>>[vector<16xi32>, vector<16xi32>], vector<16xf32>,
          %gather3A_209 = tpu.vector_load_idx %arg5[%gather3A_181, %broadcast_in_dim3A_87] : memref<32x8xf32, #tpu.memory_space<vmem>>[vector<16xi32>, vector<16xi32>], vector<16xf32>,
          %gather3A_210 = tpu.vector_load_idx %arg5[%gather3A_181, %broadcast_in_dim3A_89] : memref<32x8xf32, #tpu.memory_space<vmem>>[vector<16xi32>, vector<16xi32>], vector<16xf32>,
          %gather3A_211 = tpu.vector_load_idx %arg5[%gather3A_181, %broadcast_in_dim3A_91] : memref<32x8xf32, #tpu.memory_space<vmem>>[vector<16xi32>, vector<16xi32>], vector<16xf32>,
          %gather3A_212 = tpu.vector_load_idx %arg5[%gather3A_181, %broadcast_in_dim3A_93] : memref<32x8xf32, #tpu.memory_space<vmem>>[vector<16xi32>, vector<16xi32>], vector<16xf32>,
          %gather3A_213 = tpu.vector_load_idx %arg5[%gather3A_188, %broadcast_in_dim3A_79] : memref<32x8xf32, #tpu.memory_space<vmem>>[vector<16xi32>, vector<16xi32>], vector<16xf32>,
          %gather3A_214 = tpu.vector_load_idx %arg5[%gather3A_188, %broadcast_in_dim3A_81] : memref<32x8xf32, #tpu.memory_space<vmem>>[vector<16xi32>, vector<16xi32>], vector<16xf32>,
          %gather3A_215 = tpu.vector_load_idx %arg5[%gather3A_188, %broadcast_in_dim3A_83] : memref<32x8xf32, #tpu.memory_space<vmem>>[vector<16xi32>, vector<16xi32>], vector<16xf32>,
          %gather3A_216 = tpu.vector_load_idx %arg5[%gather3A_188, %broadcast_in_dim3A_85] : memref<32x8xf32, #tpu.memory_space<vmem>>[vector<16xi32>, vector<16xi32>], vector<16xf32>,
          %gather3A_217 = tpu.vector_load_idx %arg5[%gather3A_188, %broadcast_in_dim3A_87] : memref<32x8xf32, #tpu.memory_space<vmem>>[vector<16xi32>, vector<16xi32>], vector<16xf32>,
          %gather3A_218 = tpu.vector_load_idx %arg5[%gather3A_188, %broadcast_in_dim3A_89] : memref<32x8xf32, #tpu.memory_space<vmem>>[vector<16xi32>, vector<16xi32>], vector<16xf32>,
          %gather3A_219 = tpu.vector_load_idx %arg5[%gather3A_188, %broadcast_in_dim3A_91] : memref<32x8xf32, #tpu.memory_space<vmem>>[vector<16xi32>, vector<16xi32>], vector<16xf32>,
          %gather3A_220 = tpu.vector_load_idx %arg5[%gather3A_188, %broadcast_in_dim3A_93] : memref<32x8xf32, #tpu.memory_space<vmem>>[vector<16xi32>, vector<16xi32>], vector<16xf32>,
          %mul3A_221 = arith.constant 16 : i32
          %mul3A_222 = arith.muli %scan3A_160, %mul3A_221 : i32
          %swap3A = arith.constant 0 : i32
          %swap3A_223 = arith.constant 0 : i32
          %swap3A_224 = arith.index_cast %scan3A_149 : i32 to index
          %swap3A_225 = arith.index_cast %swap3A : i32 to index
          %swap3A_226 = arith.index_cast %swap3A_223 : i32 to index
          %swap3A_227 = arith.index_cast %mul3A_222 : i32 to index
          %swap3A_228 = tpu.vector_load %arg8[%swap3A_224, %swap3A_225, %swap3A_226, %swap3A_227] {strides = array<i32>} : memref<8x4x8x128xf32, #tpu.memory_space<vmem>>, vector<16xf32>,
          tpu.vector_store %arg8[%swap3A_224, %swap3A_225, %swap3A_226, %swap3A_227], %gather3A_189 {strides = array<i32>} : memref<8x4x8x128xf32, #tpu.memory_space<vmem>>, vector<16xf32>,
          %mul3A_229 = arith.constant 16 : i32
          %mul3A_230 = arith.muli %scan3A_160, %mul3A_229 : i32
          %swap3A_231 = arith.constant 0 : i32
          %swap3A_232 = arith.constant 1 : i32
          %swap3A_233 = arith.index_cast %scan3A_149 : i32 to index
          %swap3A_234 = arith.index_cast %swap3A_231 : i32 to index
          %swap3A_235 = arith.index_cast %swap3A_232 : i32 to index
          %swap3A_236 = arith.index_cast %mul3A_230 : i32 to index
          %swap3A_237 = tpu.vector_load %arg8[%swap3A_233, %swap3A_234, %swap3A_235, %swap3A_236] {strides = array<i32>} : memref<8x4x8x128xf32, #tpu.memory_space<vmem>>, vector<16xf32>,
          tpu.vector_store %arg8[%swap3A_233, %swap3A_234, %swap3A_235, %swap3A_236], %gather3A_190 {strides = array<i32>} : memref<8x4x8x128xf32, #tpu.memory_space<vmem>>, vector<16xf32>,
          %mul3A_238 = arith.constant 16 : i32
          %mul3A_239 = arith.muli %scan3A_160, %mul3A_238 : i32
          %swap3A_240 = arith.constant 0 : i32
          %swap3A_241 = arith.constant 2 : i32
          %swap3A_242 = arith.index_cast %scan3A_149 : i32 to index
          %swap3A_243 = arith.index_cast %swap3A_240 : i32 to index
          %swap3A_244 = arith.index_cast %swap3A_241 : i32 to index
          %swap3A_245 = arith.index_cast %mul3A_239 : i32 to index
          %swap3A_246 = tpu.vector_load %arg8[%swap3A_242, %swap3A_243, %swap3A_244, %swap3A_245] {strides = array<i32>} : memref<8x4x8x128xf32, #tpu.memory_space<vmem>>, vector<16xf32>,
          tpu.vector_store %arg8[%swap3A_242, %swap3A_243, %swap3A_244, %swap3A_245], %gather3A_191 {strides = array<i32>} : memref<8x4x8x128xf32, #tpu.memory_space<vmem>>, vector<16xf32>,
          %mul3A_247 = arith.constant 16 : i32
          %mul3A_248 = arith.muli %scan3A_160, %mul3A_247 : i32
          %swap3A_249 = arith.constant 0 : i32
          %swap3A_250 = arith.constant 3 : i32
          %swap3A_251 = arith.index_cast %scan3A_149 : i32 to index
          %swap3A_252 = arith.index_cast %swap3A_249 : i32 to index
          %swap3A_253 = arith.index_cast %swap3A_250 : i32 to index
          %swap3A_254 = arith.index_cast %mul3A_248 : i32 to index
          %swap3A_255 = tpu.vector_load %arg8[%swap3A_251, %swap3A_252, %swap3A_253, %swap3A_254] {strides = array<i32>} : memref<8x4x8x128xf32, #tpu.memory_space<vmem>>, vector<16xf32>,
          tpu.vector_store %arg8[%swap3A_251, %swap3A_252, %swap3A_253, %swap3A_254], %gather3A_192 {strides = array<i32>} : memref<8x4x8x128xf32, #tpu.memory_space<vmem>>, vector<16xf32>,
          %mul3A_256 = arith.constant 16 : i32
          %mul3A_257 = arith.muli %scan3A_160, %mul3A_256 : i32
          %swap3A_258 = arith.constant 0 : i32
          %swap3A_259 = arith.constant 4 : i32
          %swap3A_260 = arith.index_cast %scan3A_149 : i32 to index
          %swap3A_261 = arith.index_cast %swap3A_258 : i32 to index
          %swap3A_262 = arith.index_cast %swap3A_259 : i32 to index
          %swap3A_263 = arith.index_cast %mul3A_257 : i32 to index
          %swap3A_264 = tpu.vector_load %arg8[%swap3A_260, %swap3A_261, %swap3A_262, %swap3A_263] {strides = array<i32>} : memref<8x4x8x128xf32, #tpu.memory_space<vmem>>, vector<16xf32>,
          tpu.vector_store %arg8[%swap3A_260, %swap3A_261, %swap3A_262, %swap3A_263], %gather3A_193 {strides = array<i32>} : memref<8x4x8x128xf32, #tpu.memory_space<vmem>>, vector<16xf32>,
          %mul3A_265 = arith.constant 16 : i32
          %mul3A_266 = arith.muli %scan3A_160, %mul3A_265 : i32
          %swap3A_267 = arith.constant 0 : i32
          %swap3A_268 = arith.constant 5 : i32
          %swap3A_269 = arith.index_cast %scan3A_149 : i32 to index
          %swap3A_270 = arith.index_cast %swap3A_267 : i32 to index
          %swap3A_271 = arith.index_cast %swap3A_268 : i32 to index
          %swap3A_272 = arith.index_cast %mul3A_266 : i32 to index
          %swap3A_273 = tpu.vector_load %arg8[%swap3A_269, %swap3A_270, %swap3A_271, %swap3A_272] {strides = array<i32>} : memref<8x4x8x128xf32, #tpu.memory_space<vmem>>, vector<16xf32>,
          tpu.vector_store %arg8[%swap3A_269, %swap3A_270, %swap3A_271, %swap3A_272], %gather3A_194 {strides = array<i32>} : memref<8x4x8x128xf32, #tpu.memory_space<vmem>>, vector<16xf32>,
          %mul3A_274 = arith.constant 16 : i32
          %mul3A_275 = arith.muli %scan3A_160, %mul3A_274 : i32
          %swap3A_276 = arith.constant 0 : i32
          %swap3A_277 = arith.constant 6 : i32
          %swap3A_278 = arith.index_cast %scan3A_149 : i32 to index
          %swap3A_279 = arith.index_cast %swap3A_276 : i32 to index
          %swap3A_280 = arith.index_cast %swap3A_277 : i32 to index
          %swap3A_281 = arith.index_cast %mul3A_275 : i32 to index
          %swap3A_282 = tpu.vector_load %arg8[%swap3A_278, %swap3A_279, %swap3A_280, %swap3A_281] {strides = array<i32>} : memref<8x4x8x128xf32, #tpu.memory_space<vmem>>, vector<16xf32>,
          tpu.vector_store %arg8[%swap3A_278, %swap3A_279, %swap3A_280, %swap3A_281], %gather3A_195 {strides = array<i32>} : memref<8x4x8x128xf32, #tpu.memory_space<vmem>>, vector<16xf32>,
          %mul3A_283 = arith.constant 16 : i32
          %mul3A_284 = arith.muli %scan3A_160, %mul3A_283 : i32
          %swap3A_285 = arith.constant 0 : i32
          %swap3A_286 = arith.constant 7 : i32
          %swap3A_287 = arith.index_cast %scan3A_149 : i32 to index
          %swap3A_288 = arith.index_cast %swap3A_285 : i32 to index
          %swap3A_289 = arith.index_cast %swap3A_286 : i32 to index
          %swap3A_290 = arith.index_cast %mul3A_284 : i32 to index
          %swap3A_291 = tpu.vector_load %arg8[%swap3A_287, %swap3A_288, %swap3A_289, %swap3A_290] {strides = array<i32>} : memref<8x4x8x128xf32, #tpu.memory_space<vmem>>, vector<16xf32>,
          tpu.vector_store %arg8[%swap3A_287, %swap3A_288, %swap3A_289, %swap3A_290], %gather3A_196 {strides = array<i32>} : memref<8x4x8x128xf32, #tpu.memory_space<vmem>>, vector<16xf32>,
          %mul3A_292 = arith.constant 16 : i32
          %mul3A_293 = arith.muli %scan3A_160, %mul3A_292 : i32
          %swap3A_294 = arith.constant 1 : i32
          %swap3A_295 = arith.constant 0 : i32
          %swap3A_296 = arith.index_cast %scan3A_149 : i32 to index
          %swap3A_297 = arith.index_cast %swap3A_294 : i32 to index
          %swap3A_298 = arith.index_cast %swap3A_295 : i32 to index
          %swap3A_299 = arith.index_cast %mul3A_293 : i32 to index
          %swap3A_300 = tpu.vector_load %arg8[%swap3A_296, %swap3A_297, %swap3A_298, %swap3A_299] {strides = array<i32>} : memref<8x4x8x128xf32, #tpu.memory_space<vmem>>, vector<16xf32>,
          tpu.vector_store %arg8[%swap3A_296, %swap3A_297, %swap3A_298, %swap3A_299], %gather3A_197 {strides = array<i32>} : memref<8x4x8x128xf32, #tpu.memory_space<vmem>>, vector<16xf32>,
          %mul3A_301 = arith.constant 16 : i32
          %mul3A_302 = arith.muli %scan3A_160, %mul3A_301 : i32
          %swap3A_303 = arith.constant 1 : i32
          %swap3A_304 = arith.constant 1 : i32
          %swap3A_305 = arith.index_cast %scan3A_149 : i32 to index
          %swap3A_306 = arith.index_cast %swap3A_303 : i32 to index
          %swap3A_307 = arith.index_cast %swap3A_304 : i32 to index
          %swap3A_308 = arith.index_cast %mul3A_302 : i32 to index
          %swap3A_309 = tpu.vector_load %arg8[%swap3A_305, %swap3A_306, %swap3A_307, %swap3A_308] {strides = array<i32>} : memref<8x4x8x128xf32, #tpu.memory_space<vmem>>, vector<16xf32>,
          tpu.vector_store %arg8[%swap3A_305, %swap3A_306, %swap3A_307, %swap3A_308], %gather3A_198 {strides = array<i32>} : memref<8x4x8x128xf32, #tpu.memory_space<vmem>>, vector<16xf32>,
          %mul3A_310 = arith.constant 16 : i32
          %mul3A_311 = arith.muli %scan3A_160, %mul3A_310 : i32
          %swap3A_312 = arith.constant 1 : i32
          %swap3A_313 = arith.constant 2 : i32
          %swap3A_314 = arith.index_cast %scan3A_149 : i32 to index
          %swap3A_315 = arith.index_cast %swap3A_312 : i32 to index
          %swap3A_316 = arith.index_cast %swap3A_313 : i32 to index
          %swap3A_317 = arith.index_cast %mul3A_311 : i32 to index
          %swap3A_318 = tpu.vector_load %arg8[%swap3A_314, %swap3A_315, %swap3A_316, %swap3A_317] {strides = array<i32>} : memref<8x4x8x128xf32, #tpu.memory_space<vmem>>, vector<16xf32>,
          tpu.vector_store %arg8[%swap3A_314, %swap3A_315, %swap3A_316, %swap3A_317], %gather3A_199 {strides = array<i32>} : memref<8x4x8x128xf32, #tpu.memory_space<vmem>>, vector<16xf32>,
          %mul3A_319 = arith.constant 16 : i32
          %mul3A_320 = arith.muli %scan3A_160, %mul3A_319 : i32
          %swap3A_321 = arith.constant 1 : i32
          %swap3A_322 = arith.constant 3 : i32
          %swap3A_323 = arith.index_cast %scan3A_149 : i32 to index
          %swap3A_324 = arith.index_cast %swap3A_321 : i32 to index
          %swap3A_325 = arith.index_cast %swap3A_322 : i32 to index
          %swap3A_326 = arith.index_cast %mul3A_320 : i32 to index
          %swap3A_327 = tpu.vector_load %arg8[%swap3A_323, %swap3A_324, %swap3A_325, %swap3A_326] {strides = array<i32>} : memref<8x4x8x128xf32, #tpu.memory_space<vmem>>, vector<16xf32>,
          tpu.vector_store %arg8[%swap3A_323, %swap3A_324, %swap3A_325, %swap3A_326], %gather3A_200 {strides = array<i32>} : memref<8x4x8x128xf32, #tpu.memory_space<vmem>>, vector<16xf32>,
          %mul3A_328 = arith.constant 16 : i32
          %mul3A_329 = arith.muli %scan3A_160, %mul3A_328 : i32
          %swap3A_330 = arith.constant 1 : i32
          %swap3A_331 = arith.constant 4 : i32
          %swap3A_332 = arith.index_cast %scan3A_149 : i32 to index
          %swap3A_333 = arith.index_cast %swap3A_330 : i32 to index
          %swap3A_334 = arith.index_cast %swap3A_331 : i32 to index
          %swap3A_335 = arith.index_cast %mul3A_329 : i32 to index
          %swap3A_336 = tpu.vector_load %arg8[%swap3A_332, %swap3A_333, %swap3A_334, %swap3A_335] {strides = array<i32>} : memref<8x4x8x128xf32, #tpu.memory_space<vmem>>, vector<16xf32>,
          tpu.vector_store %arg8[%swap3A_332, %swap3A_333, %swap3A_334, %swap3A_335], %gather3A_201 {strides = array<i32>} : memref<8x4x8x128xf32, #tpu.memory_space<vmem>>, vector<16xf32>,
          %mul3A_337 = arith.constant 16 : i32
          %mul3A_338 = arith.muli %scan3A_160, %mul3A_337 : i32
          %swap3A_339 = arith.constant 1 : i32
          %swap3A_340 = arith.constant 5 : i32
          %swap3A_341 = arith.index_cast %scan3A_149 : i32 to index
          %swap3A_342 = arith.index_cast %swap3A_339 : i32 to index
          %swap3A_343 = arith.index_cast %swap3A_340 : i32 to index
          %swap3A_344 = arith.index_cast %mul3A_338 : i32 to index
          %swap3A_345 = tpu.vector_load %arg8[%swap3A_341, %swap3A_342, %swap3A_343, %swap3A_344] {strides = array<i32>} : memref<8x4x8x128xf32, #tpu.memory_space<vmem>>, vector<16xf32>,
          tpu.vector_store %arg8[%swap3A_341, %swap3A_342, %swap3A_343, %swap3A_344], %gather3A_202 {strides = array<i32>} : memref<8x4x8x128xf32, #tpu.memory_space<vmem>>, vector<16xf32>,
          %mul3A_346 = arith.constant 16 : i32
          %mul3A_347 = arith.muli %scan3A_160, %mul3A_346 : i32
          %swap3A_348 = arith.constant 1 : i32
          %swap3A_349 = arith.constant 6 : i32
          %swap3A_350 = arith.index_cast %scan3A_149 : i32 to index
          %swap3A_351 = arith.index_cast %swap3A_348 : i32 to index
          %swap3A_352 = arith.index_cast %swap3A_349 : i32 to index
          %swap3A_353 = arith.index_cast %mul3A_347 : i32 to index
          %swap3A_354 = tpu.vector_load %arg8[%swap3A_350, %swap3A_351, %swap3A_352, %swap3A_353] {strides = array<i32>} : memref<8x4x8x128xf32, #tpu.memory_space<vmem>>, vector<16xf32>,
          tpu.vector_store %arg8[%swap3A_350, %swap3A_351, %swap3A_352, %swap3A_353], %gather3A_203 {strides = array<i32>} : memref<8x4x8x128xf32, #tpu.memory_space<vmem>>, vector<16xf32>,
          %mul3A_355 = arith.constant 16 : i32
          %mul3A_356 = arith.muli %scan3A_160, %mul3A_355 : i32
          %swap3A_357 = arith.constant 1 : i32
          %swap3A_358 = arith.constant 7 : i32
          %swap3A_359 = arith.index_cast %scan3A_149 : i32 to index
          %swap3A_360 = arith.index_cast %swap3A_357 : i32 to index
          %swap3A_361 = arith.index_cast %swap3A_358 : i32 to index
          %swap3A_362 = arith.index_cast %mul3A_356 : i32 to index
          %swap3A_363 = tpu.vector_load %arg8[%swap3A_359, %swap3A_360, %swap3A_361, %swap3A_362] {strides = array<i32>} : memref<8x4x8x128xf32, #tpu.memory_space<vmem>>, vector<16xf32>,
          tpu.vector_store %arg8[%swap3A_359, %swap3A_360, %swap3A_361, %swap3A_362], %gather3A_204 {strides = array<i32>} : memref<8x4x8x128xf32, #tpu.memory_space<vmem>>, vector<16xf32>,
          %mul3A_364 = arith.constant 16 : i32
          %mul3A_365 = arith.muli %scan3A_160, %mul3A_364 : i32
          %swap3A_366 = arith.constant 2 : i32
          %swap3A_367 = arith.constant 0 : i32
          %swap3A_368 = arith.index_cast %scan3A_149 : i32 to index
          %swap3A_369 = arith.index_cast %swap3A_366 : i32 to index
          %swap3A_370 = arith.index_cast %swap3A_367 : i32 to index
          %swap3A_371 = arith.index_cast %mul3A_365 : i32 to index
          %swap3A_372 = tpu.vector_load %arg8[%swap3A_368, %swap3A_369, %swap3A_370, %swap3A_371] {strides = array<i32>} : memref<8x4x8x128xf32, #tpu.memory_space<vmem>>, vector<16xf32>,
          tpu.vector_store %arg8[%swap3A_368, %swap3A_369, %swap3A_370, %swap3A_371], %gather3A_205 {strides = array<i32>} : memref<8x4x8x128xf32, #tpu.memory_space<vmem>>, vector<16xf32>,
          %mul3A_373 = arith.constant 16 : i32
          %mul3A_374 = arith.muli %scan3A_160, %mul3A_373 : i32
          %swap3A_375 = arith.constant 2 : i32
          %swap3A_376 = arith.constant 1 : i32
          %swap3A_377 = arith.index_cast %scan3A_149 : i32 to index
          %swap3A_378 = arith.index_cast %swap3A_375 : i32 to index
          %swap3A_379 = arith.index_cast %swap3A_376 : i32 to index
          %swap3A_380 = arith.index_cast %mul3A_374 : i32 to index
          %swap3A_381 = tpu.vector_load %arg8[%swap3A_377, %swap3A_378, %swap3A_379, %swap3A_380] {strides = array<i32>} : memref<8x4x8x128xf32, #tpu.memory_space<vmem>>, vector<16xf32>,
          tpu.vector_store %arg8[%swap3A_377, %swap3A_378, %swap3A_379, %swap3A_380], %gather3A_206 {strides = array<i32>} : memref<8x4x8x128xf32, #tpu.memory_space<vmem>>, vector<16xf32>,
          %mul3A_382 = arith.constant 16 : i32
          %mul3A_383 = arith.muli %scan3A_160, %mul3A_382 : i32
          %swap3A_384 = arith.constant 2 : i32
          %swap3A_385 = arith.constant 2 : i32
          %swap3A_386 = arith.index_cast %scan3A_149 : i32 to index
          %swap3A_387 = arith.index_cast %swap3A_384 : i32 to index
          %swap3A_388 = arith.index_cast %swap3A_385 : i32 to index
          %swap3A_389 = arith.index_cast %mul3A_383 : i32 to index
          %swap3A_390 = tpu.vector_load %arg8[%swap3A_386, %swap3A_387, %swap3A_388, %swap3A_389] {strides = array<i32>} : memref<8x4x8x128xf32, #tpu.memory_space<vmem>>, vector<16xf32>,
          tpu.vector_store %arg8[%swap3A_386, %swap3A_387, %swap3A_388, %swap3A_389], %gather3A_207 {strides = array<i32>} : memref<8x4x8x128xf32, #tpu.memory_space<vmem>>, vector<16xf32>,
          %mul3A_391 = arith.constant 16 : i32
          %mul3A_392 = arith.muli %scan3A_160, %mul3A_391 : i32
          %swap3A_393 = arith.constant 2 : i32
          %swap3A_394 = arith.constant 3 : i32
          %swap3A_395 = arith.index_cast %scan3A_149 : i32 to index
          %swap3A_396 = arith.index_cast %swap3A_393 : i32 to index
          %swap3A_397 = arith.index_cast %swap3A_394 : i32 to index
          %swap3A_398 = arith.index_cast %mul3A_392 : i32 to index
          %swap3A_399 = tpu.vector_load %arg8[%swap3A_395, %swap3A_396, %swap3A_397, %swap3A_398] {strides = array<i32>} : memref<8x4x8x128xf32, #tpu.memory_space<vmem>>, vector<16xf32>,
          tpu.vector_store %arg8[%swap3A_395, %swap3A_396, %swap3A_397, %swap3A_398], %gather3A_208 {strides = array<i32>} : memref<8x4x8x128xf32, #tpu.memory_space<vmem>>, vector<16xf32>,
          %mul3A_400 = arith.constant 16 : i32
          %mul3A_401 = arith.muli %scan3A_160, %mul3A_400 : i32
          %swap3A_402 = arith.constant 2 : i32
          %swap3A_403 = arith.constant 4 : i32
          %swap3A_404 = arith.index_cast %scan3A_149 : i32 to index
          %swap3A_405 = arith.index_cast %swap3A_402 : i32 to index
          %swap3A_406 = arith.index_cast %swap3A_403 : i32 to index
          %swap3A_407 = arith.index_cast %mul3A_401 : i32 to index
          %swap3A_408 = tpu.vector_load %arg8[%swap3A_404, %swap3A_405, %swap3A_406, %swap3A_407] {strides = array<i32>} : memref<8x4x8x128xf32, #tpu.memory_space<vmem>>, vector<16xf32>,
          tpu.vector_store %arg8[%swap3A_404, %swap3A_405, %swap3A_406, %swap3A_407], %gather3A_209 {strides = array<i32>} : memref<8x4x8x128xf32, #tpu.memory_space<vmem>>, vector<16xf32>,
          %mul3A_409 = arith.constant 16 : i32
          %mul3A_410 = arith.muli %scan3A_160, %mul3A_409 : i32
          %swap3A_411 = arith.constant 2 : i32
          %swap3A_412 = arith.constant 5 : i32
          %swap3A_413 = arith.index_cast %scan3A_149 : i32 to index
          %swap3A_414 = arith.index_cast %swap3A_411 : i32 to index
          %swap3A_415 = arith.index_cast %swap3A_412 : i32 to index
          %swap3A_416 = arith.index_cast %mul3A_410 : i32 to index
          %swap3A_417 = tpu.vector_load %arg8[%swap3A_413, %swap3A_414, %swap3A_415, %swap3A_416] {strides = array<i32>} : memref<8x4x8x128xf32, #tpu.memory_space<vmem>>, vector<16xf32>,
          tpu.vector_store %arg8[%swap3A_413, %swap3A_414, %swap3A_415, %swap3A_416], %gather3A_210 {strides = array<i32>} : memref<8x4x8x128xf32, #tpu.memory_space<vmem>>, vector<16xf32>,
          %mul3A_418 = arith.constant 16 : i32
          %mul3A_419 = arith.muli %scan3A_160, %mul3A_418 : i32
          %swap3A_420 = arith.constant 2 : i32
          %swap3A_421 = arith.constant 6 : i32
          %swap3A_422 = arith.index_cast %scan3A_149 : i32 to index
          %swap3A_423 = arith.index_cast %swap3A_420 : i32 to index
          %swap3A_424 = arith.index_cast %swap3A_421 : i32 to index
          %swap3A_425 = arith.index_cast %mul3A_419 : i32 to index
          %swap3A_426 = tpu.vector_load %arg8[%swap3A_422, %swap3A_423, %swap3A_424, %swap3A_425] {strides = array<i32>} : memref<8x4x8x128xf32, #tpu.memory_space<vmem>>, vector<16xf32>,
          tpu.vector_store %arg8[%swap3A_422, %swap3A_423, %swap3A_424, %swap3A_425], %gather3A_211 {strides = array<i32>} : memref<8x4x8x128xf32, #tpu.memory_space<vmem>>, vector<16xf32>,
          %mul3A_427 = arith.constant 16 : i32
          %mul3A_428 = arith.muli %scan3A_160, %mul3A_427 : i32
          %swap3A_429 = arith.constant 2 : i32
          %swap3A_430 = arith.constant 7 : i32
          %swap3A_431 = arith.index_cast %scan3A_149 : i32 to index
          %swap3A_432 = arith.index_cast %swap3A_429 : i32 to index
          %swap3A_433 = arith.index_cast %swap3A_430 : i32 to index
          %swap3A_434 = arith.index_cast %mul3A_428 : i32 to index
          %swap3A_435 = tpu.vector_load %arg8[%swap3A_431, %swap3A_432, %swap3A_433, %swap3A_434] {strides = array<i32>} : memref<8x4x8x128xf32, #tpu.memory_space<vmem>>, vector<16xf32>,
          tpu.vector_store %arg8[%swap3A_431, %swap3A_432, %swap3A_433, %swap3A_434], %gather3A_212 {strides = array<i32>} : memref<8x4x8x128xf32, #tpu.memory_space<vmem>>, vector<16xf32>,
          %mul3A_436 = arith.constant 16 : i32
          %mul3A_437 = arith.muli %scan3A_160, %mul3A_436 : i32
          %swap3A_438 = arith.constant 3 : i32
          %swap3A_439 = arith.constant 0 : i32
          %swap3A_440 = arith.index_cast %scan3A_149 : i32 to index
          %swap3A_441 = arith.index_cast %swap3A_438 : i32 to index
          %swap3A_442 = arith.index_cast %swap3A_439 : i32 to index
          %swap3A_443 = arith.index_cast %mul3A_437 : i32 to index
          %swap3A_444 = tpu.vector_load %arg8[%swap3A_440, %swap3A_441, %swap3A_442, %swap3A_443] {strides = array<i32>} : memref<8x4x8x128xf32, #tpu.memory_space<vmem>>, vector<16xf32>,
          tpu.vector_store %arg8[%swap3A_440, %swap3A_441, %swap3A_442, %swap3A_443], %gather3A_213 {strides = array<i32>} : memref<8x4x8x128xf32, #tpu.memory_space<vmem>>, vector<16xf32>,
          %mul3A_445 = arith.constant 16 : i32
          %mul3A_446 = arith.muli %scan3A_160, %mul3A_445 : i32
          %swap3A_447 = arith.constant 3 : i32
          %swap3A_448 = arith.constant 1 : i32
          %swap3A_449 = arith.index_cast %scan3A_149 : i32 to index
          %swap3A_450 = arith.index_cast %swap3A_447 : i32 to index
          %swap3A_451 = arith.index_cast %swap3A_448 : i32 to index
          %swap3A_452 = arith.index_cast %mul3A_446 : i32 to index
          %swap3A_453 = tpu.vector_load %arg8[%swap3A_449, %swap3A_450, %swap3A_451, %swap3A_452] {strides = array<i32>} : memref<8x4x8x128xf32, #tpu.memory_space<vmem>>, vector<16xf32>,
          tpu.vector_store %arg8[%swap3A_449, %swap3A_450, %swap3A_451, %swap3A_452], %gather3A_214 {strides = array<i32>} : memref<8x4x8x128xf32, #tpu.memory_space<vmem>>, vector<16xf32>,
          %mul3A_454 = arith.constant 16 : i32
          %mul3A_455 = arith.muli %scan3A_160, %mul3A_454 : i32
          %swap3A_456 = arith.constant 3 : i32
          %swap3A_457 = arith.constant 2 : i32
          %swap3A_458 = arith.index_cast %scan3A_149 : i32 to index
          %swap3A_459 = arith.index_cast %swap3A_456 : i32 to index
          %swap3A_460 = arith.index_cast %swap3A_457 : i32 to index
          %swap3A_461 = arith.index_cast %mul3A_455 : i32 to index
          %swap3A_462 = tpu.vector_load %arg8[%swap3A_458, %swap3A_459, %swap3A_460, %swap3A_461] {strides = array<i32>} : memref<8x4x8x128xf32, #tpu.memory_space<vmem>>, vector<16xf32>,
          tpu.vector_store %arg8[%swap3A_458, %swap3A_459, %swap3A_460, %swap3A_461], %gather3A_215 {strides = array<i32>} : memref<8x4x8x128xf32, #tpu.memory_space<vmem>>, vector<16xf32>,
          %mul3A_463 = arith.constant 16 : i32
          %mul3A_464 = arith.muli %scan3A_160, %mul3A_463 : i32
          %swap3A_465 = arith.constant 3 : i32
          %swap3A_466 = arith.constant 3 : i32
          %swap3A_467 = arith.index_cast %scan3A_149 : i32 to index
          %swap3A_468 = arith.index_cast %swap3A_465 : i32 to index
          %swap3A_469 = arith.index_cast %swap3A_466 : i32 to index
          %swap3A_470 = arith.index_cast %mul3A_464 : i32 to index
          %swap3A_471 = tpu.vector_load %arg8[%swap3A_467, %swap3A_468, %swap3A_469, %swap3A_470] {strides = array<i32>} : memref<8x4x8x128xf32, #tpu.memory_space<vmem>>, vector<16xf32>,
          tpu.vector_store %arg8[%swap3A_467, %swap3A_468, %swap3A_469, %swap3A_470], %gather3A_216 {strides = array<i32>} : memref<8x4x8x128xf32, #tpu.memory_space<vmem>>, vector<16xf32>,
          %mul3A_472 = arith.constant 16 : i32
          %mul3A_473 = arith.muli %scan3A_160, %mul3A_472 : i32
          %swap3A_474 = arith.constant 3 : i32
          %swap3A_475 = arith.constant 4 : i32
          %swap3A_476 = arith.index_cast %scan3A_149 : i32 to index
          %swap3A_477 = arith.index_cast %swap3A_474 : i32 to index
          %swap3A_478 = arith.index_cast %swap3A_475 : i32 to index
          %swap3A_479 = arith.index_cast %mul3A_473 : i32 to index
          %swap3A_480 = tpu.vector_load %arg8[%swap3A_476, %swap3A_477, %swap3A_478, %swap3A_479] {strides = array<i32>} : memref<8x4x8x128xf32, #tpu.memory_space<vmem>>, vector<16xf32>,
          tpu.vector_store %arg8[%swap3A_476, %swap3A_477, %swap3A_478, %swap3A_479], %gather3A_217 {strides = array<i32>} : memref<8x4x8x128xf32, #tpu.memory_space<vmem>>, vector<16xf32>,
          %mul3A_481 = arith.constant 16 : i32
          %mul3A_482 = arith.muli %scan3A_160, %mul3A_481 : i32
          %swap3A_483 = arith.constant 3 : i32
          %swap3A_484 = arith.constant 5 : i32
          %swap3A_485 = arith.index_cast %scan3A_149 : i32 to index
          %swap3A_486 = arith.index_cast %swap3A_483 : i32 to index
          %swap3A_487 = arith.index_cast %swap3A_484 : i32 to index
          %swap3A_488 = arith.index_cast %mul3A_482 : i32 to index
          %swap3A_489 = tpu.vector_load %arg8[%swap3A_485, %swap3A_486, %swap3A_487, %swap3A_488] {strides = array<i32>} : memref<8x4x8x128xf32, #tpu.memory_space<vmem>>, vector<16xf32>,
          tpu.vector_store %arg8[%swap3A_485, %swap3A_486, %swap3A_487, %swap3A_488], %gather3A_218 {strides = array<i32>} : memref<8x4x8x128xf32, #tpu.memory_space<vmem>>, vector<16xf32>,
          %mul3A_490 = arith.constant 16 : i32
          %mul3A_491 = arith.muli %scan3A_160, %mul3A_490 : i32
          %swap3A_492 = arith.constant 3 : i32
          %swap3A_493 = arith.constant 6 : i32
          %swap3A_494 = arith.index_cast %scan3A_149 : i32 to index
          %swap3A_495 = arith.index_cast %swap3A_492 : i32 to index
          %swap3A_496 = arith.index_cast %swap3A_493 : i32 to index
          %swap3A_497 = arith.index_cast %mul3A_491 : i32 to index
          %swap3A_498 = tpu.vector_load %arg8[%swap3A_494, %swap3A_495, %swap3A_496, %swap3A_497] {strides = array<i32>} : memref<8x4x8x128xf32, #tpu.memory_space<vmem>>, vector<16xf32>,
          tpu.vector_store %arg8[%swap3A_494, %swap3A_495, %swap3A_496, %swap3A_497], %gather3A_219 {strides = array<i32>} : memref<8x4x8x128xf32, #tpu.memory_space<vmem>>, vector<16xf32>,
          %mul3A_499 = arith.constant 16 : i32
          %mul3A_500 = arith.muli %scan3A_160, %mul3A_499 : i32
          %swap3A_501 = arith.constant 3 : i32
          %swap3A_502 = arith.constant 7 : i32
          %swap3A_503 = arith.index_cast %scan3A_149 : i32 to index
          %swap3A_504 = arith.index_cast %swap3A_501 : i32 to index
          %swap3A_505 = arith.index_cast %swap3A_502 : i32 to index
          %swap3A_506 = arith.index_cast %mul3A_500 : i32 to index
          %swap3A_507 = tpu.vector_load %arg8[%swap3A_503, %swap3A_504, %swap3A_505, %swap3A_506] {strides = array<i32>} : memref<8x4x8x128xf32, #tpu.memory_space<vmem>>, vector<16xf32>,
          tpu.vector_store %arg8[%swap3A_503, %swap3A_504, %swap3A_505, %swap3A_506], %gather3A_220 {strides = array<i32>} : memref<8x4x8x128xf32, #tpu.memory_space<vmem>>, vector<16xf32>,
          %scan3A_508 = arith.constant 0 : i32
          scf.yield %scan3A_508 : i32
        }
        %scan3A_158 = arith.constant 8 : i32
        %scan3A_159 = arith.constant 0 : i32
        scf.yield %scan3A_159 : i32
      }
      %scan3A_100 = arith.constant 8 : i32
      %mul3A_101 = arith.constant 4 : i32
      %mul3A_102 = arith.muli %add3A, %mul3A_101 : i32
      %dma_start3A_103 = arith.constant 0 : i32
      %dma_start3A_104 = arith.constant 0 : i32
      %dma_start3A_105 = tpu.memref_slice %arg4[%mul3A_75, %mul3A_102, %dma_start3A_103, %dma_start3A_104] : memref<200x128x8x128xf32, #tpu.memory_space<hbm>> -> memref<8x4x8x128xf32, #tpu.memory_space<hbm>>
      %dma_start3A_106 = arith.constant 0 : i32
      %dma_start3A_107 = arith.constant 0 : i32
      %dma_start3A_108 = tpu.memref_slice %arg4[%mul3A_75, %mul3A_102, %dma_start3A_106, %dma_start3A_107] : memref<200x128x8x128xf32, #tpu.memory_space<hbm>> -> memref<8x4x8x128xf32, #tpu.memory_space<hbm>>
      tpu.enqueue_dma source(%arg8 : memref<8x4x8x128xf32, #tpu.memory_space<vmem>>) target(%dma_start3A_108 : memref<8x4x8x128xf32, #tpu.memory_space<hbm>>) target_semaphore(%arg10 : memref<!tpu.dma_semaphore, #tpu.memory_space<semaphore_mem>>)
      %add3A_109 = arith.constant 1 : i32
      %add3A_110 = arith.addi %add3A_71, %add3A_109 : i32
      %mul3A_111 = arith.constant 8 : i32
      %mul3A_112 = arith.muli %add3A_110, %mul3A_111 : i32
      "tpu.region"() ({
        %run_scoped3A = tpu.sem_alloc : memref<!tpu.dma_semaphore, #tpu.memory_space<semaphore_mem>>
        %dma_start3A_149 = tpu.memref_slice %arg2[%mul3A_2, %mul3A_112] : memref<16384x200xi32, #tpu.memory_space<hbm>> -> memref<512x8xi32, #tpu.memory_space<hbm>>
        %dma_start3A_150 = tpu.memref_slice %arg2[%mul3A_2, %mul3A_112] : memref<16384x200xi32, #tpu.memory_space<hbm>> -> memref<512x8xi32, #tpu.memory_space<hbm>>
        tpu.enqueue_dma source(%dma_start3A_150 : memref<512x8xi32, #tpu.memory_space<hbm>>) target(%arg7 : memref<512x8xi32, #tpu.memory_space<vmem>>) target_semaphore(%run_scoped3A : memref<!tpu.dma_semaphore, #tpu.memory_space<semaphore_mem>>)
        %dma_wait3A_151 = tpu.memref_slice %arg2[%mul3A_2, %mul3A_112] : memref<16384x200xi32, #tpu.memory_space<hbm>> -> memref<512x8xi32, #tpu.memory_space<hbm>>
        %dma_wait3A_152 = tpu.memref_slice %arg2[%mul3A_2, %mul3A_112] : memref<16384x200xi32, #tpu.memory_space<hbm>> -> memref<512x8xi32, #tpu.memory_space<hbm>>
        tpu.wait_dma2 semaphore(%run_scoped3A : memref<!tpu.dma_semaphore, #tpu.memory_space<semaphore_mem>>) src(%dma_wait3A_152 : memref<512x8xi32, #tpu.memory_space<hbm>>) dst(%arg7 : memref<512x8xi32, #tpu.memory_space<vmem>>)
        tpu.yield
      }) : () -> ()
      %ge3A_113 = arith.constant 2 : i32
      %ge3A_114 = arith.cmpi sge, %add3A_110, %ge3A_113 : i32
      %convert_element_type3A_115 = arith.extui %ge3A_114 : i1 to i32
      %cond3A_116 = arith.constant 0 : i32
      %cond3A_117 = arith.cmpi ne, %convert_element_type3A_115, %cond3A_116 : i32
      scf.if %cond3A_117 {
        %sub3A = arith.constant 16 : i32
        %sub3A_149 = arith.subi %mul3A_112, %sub3A : i32
        %mul3A_150 = arith.constant 4 : i32
        %mul3A_151 = arith.muli %add3A, %mul3A_150 : i32
        %dma_wait3A_152 = arith.constant 0 : i32
        %dma_wait3A_153 = arith.constant 0 : i32
        %dma_wait3A_154 = tpu.memref_slice %arg4[%sub3A_149, %mul3A_151, %dma_wait3A_152, %dma_wait3A_153] : memref<200x128x8x128xf32, #tpu.memory_space<hbm>> -> memref<8x4x8x128xf32, #tpu.memory_space<hbm>>
        %dma_wait3A_155 = arith.constant 0 : i32
        %dma_wait3A_156 = arith.constant 0 : i32
        %dma_wait3A_157 = tpu.memref_slice %arg4[%sub3A_149, %mul3A_151, %dma_wait3A_155, %dma_wait3A_156] : memref<200x128x8x128xf32, #tpu.memory_space<hbm>> -> memref<8x4x8x128xf32, #tpu.memory_space<hbm>>
        tpu.wait_dma2 semaphore(%arg11 : memref<!tpu.dma_semaphore, #tpu.memory_space<semaphore_mem>>) src(%arg9 : memref<8x4x8x128xf32, #tpu.memory_space<vmem>>) dst(%dma_wait3A_157 : memref<8x4x8x128xf32, #tpu.memory_space<hbm>>)
      } else {
      }
      %broadcast_in_dim3A_118 = arith.constant 0 : i32
      %broadcast_in_dim3A_119 = vector.broadcast %broadcast_in_dim3A_118 : i32 to vector<16xi32>
      %broadcast_in_dim3A_120 = arith.constant 1 : i32
      %broadcast_in_dim3A_121 = vector.broadcast %broadcast_in_dim3A_120 : i32 to vector<16xi32>
      %broadcast_in_dim3A_122 = arith.constant 2 : i32
      %broadcast_in_dim3A_123 = vector.broadcast %broadcast_in_dim3A_122 : i32 to vector<16xi32>
      %broadcast_in_dim3A_124 = arith.constant 3 : i32
      %broadcast_in_dim3A_125 = vector.broadcast %broadcast_in_dim3A_124 : i32 to vector<16xi32>
      %broadcast_in_dim3A_126 = arith.constant 4 : i32
      %broadcast_in_dim3A_127 = vector.broadcast %broadcast_in_dim3A_126 : i32 to vector<16xi32>
      %broadcast_in_dim3A_128 = arith.constant 5 : i32
      %broadcast_in_dim3A_129 = vector.broadcast %broadcast_in_dim3A_128 : i32 to vector<16xi32>
      %broadcast_in_dim3A_130 = arith.constant 6 : i32
      %broadcast_in_dim3A_131 = vector.broadcast %broadcast_in_dim3A_130 : i32 to vector<16xi32>
      %broadcast_in_dim3A_132 = arith.constant 7 : i32
      %broadcast_in_dim3A_133 = vector.broadcast %broadcast_in_dim3A_132 : i32 to vector<16xi32>
      %scan3A_134 = arith.constant 0 : i32
      %scan3A_135 = arith.constant 0 : i32
      %scan3A_136 = arith.constant 8 : i32
      %scan3A_137 = arith.addi %scan3A_135, %scan3A_136 : i32
      %scan3A_138 = arith.constant 1 : i32
      %scan3A_139 = scf.for %scan3A_149 = %scan3A_135 to %scan3A_137 step %scan3A_138 iter_args(%scan3A_150 = %scan3A_134) -> (i32)  : i32 {
        %broadcast_in_dim3A_151 = vector.broadcast %scan3A_149 : i32 to vector<16xi32>
        %scan3A_152 = arith.constant 0 : i32
        %scan3A_153 = arith.constant 0 : i32
        %scan3A_154 = arith.constant 8 : i32
        %scan3A_155 = arith.addi %scan3A_153, %scan3A_154 : i32
        %scan3A_156 = arith.constant 1 : i32
        %scan3A_157 = scf.for %scan3A_160 = %scan3A_153 to %scan3A_155 step %scan3A_156 iter_args(%scan3A_161 = %scan3A_152) -> (i32)  : i32 {
          %mul3A_162 = arith.constant 16 : i32
          %mul3A_163 = arith.muli %scan3A_160, %mul3A_162 : i32
          %add3A_164 = arith.constant 0 : i32
          %add3A_165 = arith.addi %add3A_164, %mul3A_163 : i32
          %add3A_166 = vector.broadcast %add3A_165 : i32 to vector<16xi32>
          %add3A_167 = arith.addi %iota3A, %add3A_166 : vector<16xi32>
          %gather3A = tpu.vector_load_idx %arg7[%add3A_167, %broadcast_in_dim3A_151] : memref<512x8xi32, #tpu.memory_space<vmem>>[vector<16xi32>, vector<16xi32>], vector<16xi32>,
          %mul3A_168 = arith.constant 16 : i32
          %mul3A_169 = arith.muli %scan3A_160, %mul3A_168 : i32
          %add3A_170 = arith.constant 128 : i32
          %add3A_171 = arith.addi %add3A_170, %mul3A_169 : i32
          %add3A_172 = vector.broadcast %add3A_171 : i32 to vector<16xi32>
          %add3A_173 = arith.addi %iota3A, %add3A_172 : vector<16xi32>
          %gather3A_174 = tpu.vector_load_idx %arg7[%add3A_173, %broadcast_in_dim3A_151] : memref<512x8xi32, #tpu.memory_space<vmem>>[vector<16xi32>, vector<16xi32>], vector<16xi32>,
          %mul3A_175 = arith.constant 16 : i32
          %mul3A_176 = arith.muli %scan3A_160, %mul3A_175 : i32
          %add3A_177 = arith.constant 256 : i32
          %add3A_178 = arith.addi %add3A_177, %mul3A_176 : i32
          %add3A_179 = vector.broadcast %add3A_178 : i32 to vector<16xi32>
          %add3A_180 = arith.addi %iota3A, %add3A_179 : vector<16xi32>
          %gather3A_181 = tpu.vector_load_idx %arg7[%add3A_180, %broadcast_in_dim3A_151] : memref<512x8xi32, #tpu.memory_space<vmem>>[vector<16xi32>, vector<16xi32>], vector<16xi32>,
          %mul3A_182 = arith.constant 16 : i32
          %mul3A_183 = arith.muli %scan3A_160, %mul3A_182 : i32
          %add3A_184 = arith.constant 384 : i32
          %add3A_185 = arith.addi %add3A_184, %mul3A_183 : i32
          %add3A_186 = vector.broadcast %add3A_185 : i32 to vector<16xi32>
          %add3A_187 = arith.addi %iota3A, %add3A_186 : vector<16xi32>
          %gather3A_188 = tpu.vector_load_idx %arg7[%add3A_187, %broadcast_in_dim3A_151] : memref<512x8xi32, #tpu.memory_space<vmem>>[vector<16xi32>, vector<16xi32>], vector<16xi32>,
          %gather3A_189 = tpu.vector_load_idx %arg5[%gather3A, %broadcast_in_dim3A_119] : memref<32x8xf32, #tpu.memory_space<vmem>>[vector<16xi32>, vector<16xi32>], vector<16xf32>,
          %gather3A_190 = tpu.vector_load_idx %arg5[%gather3A, %broadcast_in_dim3A_121] : memref<32x8xf32, #tpu.memory_space<vmem>>[vector<16xi32>, vector<16xi32>], vector<16xf32>,
          %gather3A_191 = tpu.vector_load_idx %arg5[%gather3A, %broadcast_in_dim3A_123] : memref<32x8xf32, #tpu.memory_space<vmem>>[vector<16xi32>, vector<16xi32>], vector<16xf32>,
          %gather3A_192 = tpu.vector_load_idx %arg5[%gather3A, %broadcast_in_dim3A_125] : memref<32x8xf32, #tpu.memory_space<vmem>>[vector<16xi32>, vector<16xi32>], vector<16xf32>,
          %gather3A_193 = tpu.vector_load_idx %arg5[%gather3A, %broadcast_in_dim3A_127] : memref<32x8xf32, #tpu.memory_space<vmem>>[vector<16xi32>, vector<16xi32>], vector<16xf32>,
          %gather3A_194 = tpu.vector_load_idx %arg5[%gather3A, %broadcast_in_dim3A_129] : memref<32x8xf32, #tpu.memory_space<vmem>>[vector<16xi32>, vector<16xi32>], vector<16xf32>,
          %gather3A_195 = tpu.vector_load_idx %arg5[%gather3A, %broadcast_in_dim3A_131] : memref<32x8xf32, #tpu.memory_space<vmem>>[vector<16xi32>, vector<16xi32>], vector<16xf32>,
          %gather3A_196 = tpu.vector_load_idx %arg5[%gather3A, %broadcast_in_dim3A_133] : memref<32x8xf32, #tpu.memory_space<vmem>>[vector<16xi32>, vector<16xi32>], vector<16xf32>,
          %gather3A_197 = tpu.vector_load_idx %arg5[%gather3A_174, %broadcast_in_dim3A_119] : memref<32x8xf32, #tpu.memory_space<vmem>>[vector<16xi32>, vector<16xi32>], vector<16xf32>,
          %gather3A_198 = tpu.vector_load_idx %arg5[%gather3A_174, %broadcast_in_dim3A_121] : memref<32x8xf32, #tpu.memory_space<vmem>>[vector<16xi32>, vector<16xi32>], vector<16xf32>,
          %gather3A_199 = tpu.vector_load_idx %arg5[%gather3A_174, %broadcast_in_dim3A_123] : memref<32x8xf32, #tpu.memory_space<vmem>>[vector<16xi32>, vector<16xi32>], vector<16xf32>,
          %gather3A_200 = tpu.vector_load_idx %arg5[%gather3A_174, %broadcast_in_dim3A_125] : memref<32x8xf32, #tpu.memory_space<vmem>>[vector<16xi32>, vector<16xi32>], vector<16xf32>,
          %gather3A_201 = tpu.vector_load_idx %arg5[%gather3A_174, %broadcast_in_dim3A_127] : memref<32x8xf32, #tpu.memory_space<vmem>>[vector<16xi32>, vector<16xi32>], vector<16xf32>,
          %gather3A_202 = tpu.vector_load_idx %arg5[%gather3A_174, %broadcast_in_dim3A_129] : memref<32x8xf32, #tpu.memory_space<vmem>>[vector<16xi32>, vector<16xi32>], vector<16xf32>,
          %gather3A_203 = tpu.vector_load_idx %arg5[%gather3A_174, %broadcast_in_dim3A_131] : memref<32x8xf32, #tpu.memory_space<vmem>>[vector<16xi32>, vector<16xi32>], vector<16xf32>,
          %gather3A_204 = tpu.vector_load_idx %arg5[%gather3A_174, %broadcast_in_dim3A_133] : memref<32x8xf32, #tpu.memory_space<vmem>>[vector<16xi32>, vector<16xi32>], vector<16xf32>,
          %gather3A_205 = tpu.vector_load_idx %arg5[%gather3A_181, %broadcast_in_dim3A_119] : memref<32x8xf32, #tpu.memory_space<vmem>>[vector<16xi32>, vector<16xi32>], vector<16xf32>,
          %gather3A_206 = tpu.vector_load_idx %arg5[%gather3A_181, %broadcast_in_dim3A_121] : memref<32x8xf32, #tpu.memory_space<vmem>>[vector<16xi32>, vector<16xi32>], vector<16xf32>,
          %gather3A_207 = tpu.vector_load_idx %arg5[%gather3A_181, %broadcast_in_dim3A_123] : memref<32x8xf32, #tpu.memory_space<vmem>>[vector<16xi32>, vector<16xi32>], vector<16xf32>,
          %gather3A_208 = tpu.vector_load_idx %arg5[%gather3A_181, %broadcast_in_dim3A_125] : memref<32x8xf32, #tpu.memory_space<vmem>>[vector<16xi32>, vector<16xi32>], vector<16xf32>,
          %gather3A_209 = tpu.vector_load_idx %arg5[%gather3A_181, %broadcast_in_dim3A_127] : memref<32x8xf32, #tpu.memory_space<vmem>>[vector<16xi32>, vector<16xi32>], vector<16xf32>,
          %gather3A_210 = tpu.vector_load_idx %arg5[%gather3A_181, %broadcast_in_dim3A_129] : memref<32x8xf32, #tpu.memory_space<vmem>>[vector<16xi32>, vector<16xi32>], vector<16xf32>,
          %gather3A_211 = tpu.vector_load_idx %arg5[%gather3A_181, %broadcast_in_dim3A_131] : memref<32x8xf32, #tpu.memory_space<vmem>>[vector<16xi32>, vector<16xi32>], vector<16xf32>,
          %gather3A_212 = tpu.vector_load_idx %arg5[%gather3A_181, %broadcast_in_dim3A_133] : memref<32x8xf32, #tpu.memory_space<vmem>>[vector<16xi32>, vector<16xi32>], vector<16xf32>,
          %gather3A_213 = tpu.vector_load_idx %arg5[%gather3A_188, %broadcast_in_dim3A_119] : memref<32x8xf32, #tpu.memory_space<vmem>>[vector<16xi32>, vector<16xi32>], vector<16xf32>,
          %gather3A_214 = tpu.vector_load_idx %arg5[%gather3A_188, %broadcast_in_dim3A_121] : memref<32x8xf32, #tpu.memory_space<vmem>>[vector<16xi32>, vector<16xi32>], vector<16xf32>,
          %gather3A_215 = tpu.vector_load_idx %arg5[%gather3A_188, %broadcast_in_dim3A_123] : memref<32x8xf32, #tpu.memory_space<vmem>>[vector<16xi32>, vector<16xi32>], vector<16xf32>,
          %gather3A_216 = tpu.vector_load_idx %arg5[%gather3A_188, %broadcast_in_dim3A_125] : memref<32x8xf32, #tpu.memory_space<vmem>>[vector<16xi32>, vector<16xi32>], vector<16xf32>,
          %gather3A_217 = tpu.vector_load_idx %arg5[%gather3A_188, %broadcast_in_dim3A_127] : memref<32x8xf32, #tpu.memory_space<vmem>>[vector<16xi32>, vector<16xi32>], vector<16xf32>,
          %gather3A_218 = tpu.vector_load_idx %arg5[%gather3A_188, %broadcast_in_dim3A_129] : memref<32x8xf32, #tpu.memory_space<vmem>>[vector<16xi32>, vector<16xi32>], vector<16xf32>,
          %gather3A_219 = tpu.vector_load_idx %arg5[%gather3A_188, %broadcast_in_dim3A_131] : memref<32x8xf32, #tpu.memory_space<vmem>>[vector<16xi32>, vector<16xi32>], vector<16xf32>,
          %gather3A_220 = tpu.vector_load_idx %arg5[%gather3A_188, %broadcast_in_dim3A_133] : memref<32x8xf32, #tpu.memory_space<vmem>>[vector<16xi32>, vector<16xi32>], vector<16xf32>,
          %mul3A_221 = arith.constant 16 : i32
          %mul3A_222 = arith.muli %scan3A_160, %mul3A_221 : i32
          %swap3A = arith.constant 0 : i32
          %swap3A_223 = arith.constant 0 : i32
          %swap3A_224 = arith.index_cast %scan3A_149 : i32 to index
          %swap3A_225 = arith.index_cast %swap3A : i32 to index
          %swap3A_226 = arith.index_cast %swap3A_223 : i32 to index
          %swap3A_227 = arith.index_cast %mul3A_222 : i32 to index
          %swap3A_228 = tpu.vector_load %arg9[%swap3A_224, %swap3A_225, %swap3A_226, %swap3A_227] {strides = array<i32>} : memref<8x4x8x128xf32, #tpu.memory_space<vmem>>, vector<16xf32>,
          tpu.vector_store %arg9[%swap3A_224, %swap3A_225, %swap3A_226, %swap3A_227], %gather3A_189 {strides = array<i32>} : memref<8x4x8x128xf32, #tpu.memory_space<vmem>>, vector<16xf32>,
          %mul3A_229 = arith.constant 16 : i32
          %mul3A_230 = arith.muli %scan3A_160, %mul3A_229 : i32
          %swap3A_231 = arith.constant 0 : i32
          %swap3A_232 = arith.constant 1 : i32
          %swap3A_233 = arith.index_cast %scan3A_149 : i32 to index
          %swap3A_234 = arith.index_cast %swap3A_231 : i32 to index
          %swap3A_235 = arith.index_cast %swap3A_232 : i32 to index
          %swap3A_236 = arith.index_cast %mul3A_230 : i32 to index
          %swap3A_237 = tpu.vector_load %arg9[%swap3A_233, %swap3A_234, %swap3A_235, %swap3A_236] {strides = array<i32>} : memref<8x4x8x128xf32, #tpu.memory_space<vmem>>, vector<16xf32>,
          tpu.vector_store %arg9[%swap3A_233, %swap3A_234, %swap3A_235, %swap3A_236], %gather3A_190 {strides = array<i32>} : memref<8x4x8x128xf32, #tpu.memory_space<vmem>>, vector<16xf32>,
          %mul3A_238 = arith.constant 16 : i32
          %mul3A_239 = arith.muli %scan3A_160, %mul3A_238 : i32
          %swap3A_240 = arith.constant 0 : i32
          %swap3A_241 = arith.constant 2 : i32
          %swap3A_242 = arith.index_cast %scan3A_149 : i32 to index
          %swap3A_243 = arith.index_cast %swap3A_240 : i32 to index
          %swap3A_244 = arith.index_cast %swap3A_241 : i32 to index
          %swap3A_245 = arith.index_cast %mul3A_239 : i32 to index
          %swap3A_246 = tpu.vector_load %arg9[%swap3A_242, %swap3A_243, %swap3A_244, %swap3A_245] {strides = array<i32>} : memref<8x4x8x128xf32, #tpu.memory_space<vmem>>, vector<16xf32>,
          tpu.vector_store %arg9[%swap3A_242, %swap3A_243, %swap3A_244, %swap3A_245], %gather3A_191 {strides = array<i32>} : memref<8x4x8x128xf32, #tpu.memory_space<vmem>>, vector<16xf32>,
          %mul3A_247 = arith.constant 16 : i32
          %mul3A_248 = arith.muli %scan3A_160, %mul3A_247 : i32
          %swap3A_249 = arith.constant 0 : i32
          %swap3A_250 = arith.constant 3 : i32
          %swap3A_251 = arith.index_cast %scan3A_149 : i32 to index
          %swap3A_252 = arith.index_cast %swap3A_249 : i32 to index
          %swap3A_253 = arith.index_cast %swap3A_250 : i32 to index
          %swap3A_254 = arith.index_cast %mul3A_248 : i32 to index
          %swap3A_255 = tpu.vector_load %arg9[%swap3A_251, %swap3A_252, %swap3A_253, %swap3A_254] {strides = array<i32>} : memref<8x4x8x128xf32, #tpu.memory_space<vmem>>, vector<16xf32>,
          tpu.vector_store %arg9[%swap3A_251, %swap3A_252, %swap3A_253, %swap3A_254], %gather3A_192 {strides = array<i32>} : memref<8x4x8x128xf32, #tpu.memory_space<vmem>>, vector<16xf32>,
          %mul3A_256 = arith.constant 16 : i32
          %mul3A_257 = arith.muli %scan3A_160, %mul3A_256 : i32
          %swap3A_258 = arith.constant 0 : i32
          %swap3A_259 = arith.constant 4 : i32
          %swap3A_260 = arith.index_cast %scan3A_149 : i32 to index
          %swap3A_261 = arith.index_cast %swap3A_258 : i32 to index
          %swap3A_262 = arith.index_cast %swap3A_259 : i32 to index
          %swap3A_263 = arith.index_cast %mul3A_257 : i32 to index
          %swap3A_264 = tpu.vector_load %arg9[%swap3A_260, %swap3A_261, %swap3A_262, %swap3A_263] {strides = array<i32>} : memref<8x4x8x128xf32, #tpu.memory_space<vmem>>, vector<16xf32>,
          tpu.vector_store %arg9[%swap3A_260, %swap3A_261, %swap3A_262, %swap3A_263], %gather3A_193 {strides = array<i32>} : memref<8x4x8x128xf32, #tpu.memory_space<vmem>>, vector<16xf32>,
          %mul3A_265 = arith.constant 16 : i32
          %mul3A_266 = arith.muli %scan3A_160, %mul3A_265 : i32
          %swap3A_267 = arith.constant 0 : i32
          %swap3A_268 = arith.constant 5 : i32
          %swap3A_269 = arith.index_cast %scan3A_149 : i32 to index
          %swap3A_270 = arith.index_cast %swap3A_267 : i32 to index
          %swap3A_271 = arith.index_cast %swap3A_268 : i32 to index
          %swap3A_272 = arith.index_cast %mul3A_266 : i32 to index
          %swap3A_273 = tpu.vector_load %arg9[%swap3A_269, %swap3A_270, %swap3A_271, %swap3A_272] {strides = array<i32>} : memref<8x4x8x128xf32, #tpu.memory_space<vmem>>, vector<16xf32>,
          tpu.vector_store %arg9[%swap3A_269, %swap3A_270, %swap3A_271, %swap3A_272], %gather3A_194 {strides = array<i32>} : memref<8x4x8x128xf32, #tpu.memory_space<vmem>>, vector<16xf32>,
          %mul3A_274 = arith.constant 16 : i32
          %mul3A_275 = arith.muli %scan3A_160, %mul3A_274 : i32
          %swap3A_276 = arith.constant 0 : i32
          %swap3A_277 = arith.constant 6 : i32
          %swap3A_278 = arith.index_cast %scan3A_149 : i32 to index
          %swap3A_279 = arith.index_cast %swap3A_276 : i32 to index
          %swap3A_280 = arith.index_cast %swap3A_277 : i32 to index
          %swap3A_281 = arith.index_cast %mul3A_275 : i32 to index
          %swap3A_282 = tpu.vector_load %arg9[%swap3A_278, %swap3A_279, %swap3A_280, %swap3A_281] {strides = array<i32>} : memref<8x4x8x128xf32, #tpu.memory_space<vmem>>, vector<16xf32>,
          tpu.vector_store %arg9[%swap3A_278, %swap3A_279, %swap3A_280, %swap3A_281], %gather3A_195 {strides = array<i32>} : memref<8x4x8x128xf32, #tpu.memory_space<vmem>>, vector<16xf32>,
          %mul3A_283 = arith.constant 16 : i32
          %mul3A_284 = arith.muli %scan3A_160, %mul3A_283 : i32
          %swap3A_285 = arith.constant 0 : i32
          %swap3A_286 = arith.constant 7 : i32
          %swap3A_287 = arith.index_cast %scan3A_149 : i32 to index
          %swap3A_288 = arith.index_cast %swap3A_285 : i32 to index
          %swap3A_289 = arith.index_cast %swap3A_286 : i32 to index
          %swap3A_290 = arith.index_cast %mul3A_284 : i32 to index
          %swap3A_291 = tpu.vector_load %arg9[%swap3A_287, %swap3A_288, %swap3A_289, %swap3A_290] {strides = array<i32>} : memref<8x4x8x128xf32, #tpu.memory_space<vmem>>, vector<16xf32>,
          tpu.vector_store %arg9[%swap3A_287, %swap3A_288, %swap3A_289, %swap3A_290], %gather3A_196 {strides = array<i32>} : memref<8x4x8x128xf32, #tpu.memory_space<vmem>>, vector<16xf32>,
          %mul3A_292 = arith.constant 16 : i32
          %mul3A_293 = arith.muli %scan3A_160, %mul3A_292 : i32
          %swap3A_294 = arith.constant 1 : i32
          %swap3A_295 = arith.constant 0 : i32
          %swap3A_296 = arith.index_cast %scan3A_149 : i32 to index
          %swap3A_297 = arith.index_cast %swap3A_294 : i32 to index
          %swap3A_298 = arith.index_cast %swap3A_295 : i32 to index
          %swap3A_299 = arith.index_cast %mul3A_293 : i32 to index
          %swap3A_300 = tpu.vector_load %arg9[%swap3A_296, %swap3A_297, %swap3A_298, %swap3A_299] {strides = array<i32>} : memref<8x4x8x128xf32, #tpu.memory_space<vmem>>, vector<16xf32>,
          tpu.vector_store %arg9[%swap3A_296, %swap3A_297, %swap3A_298, %swap3A_299], %gather3A_197 {strides = array<i32>} : memref<8x4x8x128xf32, #tpu.memory_space<vmem>>, vector<16xf32>,
          %mul3A_301 = arith.constant 16 : i32
          %mul3A_302 = arith.muli %scan3A_160, %mul3A_301 : i32
          %swap3A_303 = arith.constant 1 : i32
          %swap3A_304 = arith.constant 1 : i32
          %swap3A_305 = arith.index_cast %scan3A_149 : i32 to index
          %swap3A_306 = arith.index_cast %swap3A_303 : i32 to index
          %swap3A_307 = arith.index_cast %swap3A_304 : i32 to index
          %swap3A_308 = arith.index_cast %mul3A_302 : i32 to index
          %swap3A_309 = tpu.vector_load %arg9[%swap3A_305, %swap3A_306, %swap3A_307, %swap3A_308] {strides = array<i32>} : memref<8x4x8x128xf32, #tpu.memory_space<vmem>>, vector<16xf32>,
          tpu.vector_store %arg9[%swap3A_305, %swap3A_306, %swap3A_307, %swap3A_308], %gather3A_198 {strides = array<i32>} : memref<8x4x8x128xf32, #tpu.memory_space<vmem>>, vector<16xf32>,
          %mul3A_310 = arith.constant 16 : i32
          %mul3A_311 = arith.muli %scan3A_160, %mul3A_310 : i32
          %swap3A_312 = arith.constant 1 : i32
          %swap3A_313 = arith.constant 2 : i32
          %swap3A_314 = arith.index_cast %scan3A_149 : i32 to index
          %swap3A_315 = arith.index_cast %swap3A_312 : i32 to index
          %swap3A_316 = arith.index_cast %swap3A_313 : i32 to index
          %swap3A_317 = arith.index_cast %mul3A_311 : i32 to index
          %swap3A_318 = tpu.vector_load %arg9[%swap3A_314, %swap3A_315, %swap3A_316, %swap3A_317] {strides = array<i32>} : memref<8x4x8x128xf32, #tpu.memory_space<vmem>>, vector<16xf32>,
          tpu.vector_store %arg9[%swap3A_314, %swap3A_315, %swap3A_316, %swap3A_317], %gather3A_199 {strides = array<i32>} : memref<8x4x8x128xf32, #tpu.memory_space<vmem>>, vector<16xf32>,
          %mul3A_319 = arith.constant 16 : i32
          %mul3A_320 = arith.muli %scan3A_160, %mul3A_319 : i32
          %swap3A_321 = arith.constant 1 : i32
          %swap3A_322 = arith.constant 3 : i32
          %swap3A_323 = arith.index_cast %scan3A_149 : i32 to index
          %swap3A_324 = arith.index_cast %swap3A_321 : i32 to index
          %swap3A_325 = arith.index_cast %swap3A_322 : i32 to index
          %swap3A_326 = arith.index_cast %mul3A_320 : i32 to index
          %swap3A_327 = tpu.vector_load %arg9[%swap3A_323, %swap3A_324, %swap3A_325, %swap3A_326] {strides = array<i32>} : memref<8x4x8x128xf32, #tpu.memory_space<vmem>>, vector<16xf32>,
          tpu.vector_store %arg9[%swap3A_323, %swap3A_324, %swap3A_325, %swap3A_326], %gather3A_200 {strides = array<i32>} : memref<8x4x8x128xf32, #tpu.memory_space<vmem>>, vector<16xf32>,
          %mul3A_328 = arith.constant 16 : i32
          %mul3A_329 = arith.muli %scan3A_160, %mul3A_328 : i32
          %swap3A_330 = arith.constant 1 : i32
          %swap3A_331 = arith.constant 4 : i32
          %swap3A_332 = arith.index_cast %scan3A_149 : i32 to index
          %swap3A_333 = arith.index_cast %swap3A_330 : i32 to index
          %swap3A_334 = arith.index_cast %swap3A_331 : i32 to index
          %swap3A_335 = arith.index_cast %mul3A_329 : i32 to index
          %swap3A_336 = tpu.vector_load %arg9[%swap3A_332, %swap3A_333, %swap3A_334, %swap3A_335] {strides = array<i32>} : memref<8x4x8x128xf32, #tpu.memory_space<vmem>>, vector<16xf32>,
          tpu.vector_store %arg9[%swap3A_332, %swap3A_333, %swap3A_334, %swap3A_335], %gather3A_201 {strides = array<i32>} : memref<8x4x8x128xf32, #tpu.memory_space<vmem>>, vector<16xf32>,
          %mul3A_337 = arith.constant 16 : i32
          %mul3A_338 = arith.muli %scan3A_160, %mul3A_337 : i32
          %swap3A_339 = arith.constant 1 : i32
          %swap3A_340 = arith.constant 5 : i32
          %swap3A_341 = arith.index_cast %scan3A_149 : i32 to index
          %swap3A_342 = arith.index_cast %swap3A_339 : i32 to index
          %swap3A_343 = arith.index_cast %swap3A_340 : i32 to index
          %swap3A_344 = arith.index_cast %mul3A_338 : i32 to index
          %swap3A_345 = tpu.vector_load %arg9[%swap3A_341, %swap3A_342, %swap3A_343, %swap3A_344] {strides = array<i32>} : memref<8x4x8x128xf32, #tpu.memory_space<vmem>>, vector<16xf32>,
          tpu.vector_store %arg9[%swap3A_341, %swap3A_342, %swap3A_343, %swap3A_344], %gather3A_202 {strides = array<i32>} : memref<8x4x8x128xf32, #tpu.memory_space<vmem>>, vector<16xf32>,
          %mul3A_346 = arith.constant 16 : i32
          %mul3A_347 = arith.muli %scan3A_160, %mul3A_346 : i32
          %swap3A_348 = arith.constant 1 : i32
          %swap3A_349 = arith.constant 6 : i32
          %swap3A_350 = arith.index_cast %scan3A_149 : i32 to index
          %swap3A_351 = arith.index_cast %swap3A_348 : i32 to index
          %swap3A_352 = arith.index_cast %swap3A_349 : i32 to index
          %swap3A_353 = arith.index_cast %mul3A_347 : i32 to index
          %swap3A_354 = tpu.vector_load %arg9[%swap3A_350, %swap3A_351, %swap3A_352, %swap3A_353] {strides = array<i32>} : memref<8x4x8x128xf32, #tpu.memory_space<vmem>>, vector<16xf32>,
          tpu.vector_store %arg9[%swap3A_350, %swap3A_351, %swap3A_352, %swap3A_353], %gather3A_203 {strides = array<i32>} : memref<8x4x8x128xf32, #tpu.memory_space<vmem>>, vector<16xf32>,
          %mul3A_355 = arith.constant 16 : i32
          %mul3A_356 = arith.muli %scan3A_160, %mul3A_355 : i32
          %swap3A_357 = arith.constant 1 : i32
          %swap3A_358 = arith.constant 7 : i32
          %swap3A_359 = arith.index_cast %scan3A_149 : i32 to index
          %swap3A_360 = arith.index_cast %swap3A_357 : i32 to index
          %swap3A_361 = arith.index_cast %swap3A_358 : i32 to index
          %swap3A_362 = arith.index_cast %mul3A_356 : i32 to index
          %swap3A_363 = tpu.vector_load %arg9[%swap3A_359, %swap3A_360, %swap3A_361, %swap3A_362] {strides = array<i32>} : memref<8x4x8x128xf32, #tpu.memory_space<vmem>>, vector<16xf32>,
          tpu.vector_store %arg9[%swap3A_359, %swap3A_360, %swap3A_361, %swap3A_362], %gather3A_204 {strides = array<i32>} : memref<8x4x8x128xf32, #tpu.memory_space<vmem>>, vector<16xf32>,
          %mul3A_364 = arith.constant 16 : i32
          %mul3A_365 = arith.muli %scan3A_160, %mul3A_364 : i32
          %swap3A_366 = arith.constant 2 : i32
          %swap3A_367 = arith.constant 0 : i32
          %swap3A_368 = arith.index_cast %scan3A_149 : i32 to index
          %swap3A_369 = arith.index_cast %swap3A_366 : i32 to index
          %swap3A_370 = arith.index_cast %swap3A_367 : i32 to index
          %swap3A_371 = arith.index_cast %mul3A_365 : i32 to index
          %swap3A_372 = tpu.vector_load %arg9[%swap3A_368, %swap3A_369, %swap3A_370, %swap3A_371] {strides = array<i32>} : memref<8x4x8x128xf32, #tpu.memory_space<vmem>>, vector<16xf32>,
          tpu.vector_store %arg9[%swap3A_368, %swap3A_369, %swap3A_370, %swap3A_371], %gather3A_205 {strides = array<i32>} : memref<8x4x8x128xf32, #tpu.memory_space<vmem>>, vector<16xf32>,
          %mul3A_373 = arith.constant 16 : i32
          %mul3A_374 = arith.muli %scan3A_160, %mul3A_373 : i32
          %swap3A_375 = arith.constant 2 : i32
          %swap3A_376 = arith.constant 1 : i32
          %swap3A_377 = arith.index_cast %scan3A_149 : i32 to index
          %swap3A_378 = arith.index_cast %swap3A_375 : i32 to index
          %swap3A_379 = arith.index_cast %swap3A_376 : i32 to index
          %swap3A_380 = arith.index_cast %mul3A_374 : i32 to index
          %swap3A_381 = tpu.vector_load %arg9[%swap3A_377, %swap3A_378, %swap3A_379, %swap3A_380] {strides = array<i32>} : memref<8x4x8x128xf32, #tpu.memory_space<vmem>>, vector<16xf32>,
          tpu.vector_store %arg9[%swap3A_377, %swap3A_378, %swap3A_379, %swap3A_380], %gather3A_206 {strides = array<i32>} : memref<8x4x8x128xf32, #tpu.memory_space<vmem>>, vector<16xf32>,
          %mul3A_382 = arith.constant 16 : i32
          %mul3A_383 = arith.muli %scan3A_160, %mul3A_382 : i32
          %swap3A_384 = arith.constant 2 : i32
          %swap3A_385 = arith.constant 2 : i32
          %swap3A_386 = arith.index_cast %scan3A_149 : i32 to index
          %swap3A_387 = arith.index_cast %swap3A_384 : i32 to index
          %swap3A_388 = arith.index_cast %swap3A_385 : i32 to index
          %swap3A_389 = arith.index_cast %mul3A_383 : i32 to index
          %swap3A_390 = tpu.vector_load %arg9[%swap3A_386, %swap3A_387, %swap3A_388, %swap3A_389] {strides = array<i32>} : memref<8x4x8x128xf32, #tpu.memory_space<vmem>>, vector<16xf32>,
          tpu.vector_store %arg9[%swap3A_386, %swap3A_387, %swap3A_388, %swap3A_389], %gather3A_207 {strides = array<i32>} : memref<8x4x8x128xf32, #tpu.memory_space<vmem>>, vector<16xf32>,
          %mul3A_391 = arith.constant 16 : i32
          %mul3A_392 = arith.muli %scan3A_160, %mul3A_391 : i32
          %swap3A_393 = arith.constant 2 : i32
          %swap3A_394 = arith.constant 3 : i32
          %swap3A_395 = arith.index_cast %scan3A_149 : i32 to index
          %swap3A_396 = arith.index_cast %swap3A_393 : i32 to index
          %swap3A_397 = arith.index_cast %swap3A_394 : i32 to index
          %swap3A_398 = arith.index_cast %mul3A_392 : i32 to index
          %swap3A_399 = tpu.vector_load %arg9[%swap3A_395, %swap3A_396, %swap3A_397, %swap3A_398] {strides = array<i32>} : memref<8x4x8x128xf32, #tpu.memory_space<vmem>>, vector<16xf32>,
          tpu.vector_store %arg9[%swap3A_395, %swap3A_396, %swap3A_397, %swap3A_398], %gather3A_208 {strides = array<i32>} : memref<8x4x8x128xf32, #tpu.memory_space<vmem>>, vector<16xf32>,
          %mul3A_400 = arith.constant 16 : i32
          %mul3A_401 = arith.muli %scan3A_160, %mul3A_400 : i32
          %swap3A_402 = arith.constant 2 : i32
          %swap3A_403 = arith.constant 4 : i32
          %swap3A_404 = arith.index_cast %scan3A_149 : i32 to index
          %swap3A_405 = arith.index_cast %swap3A_402 : i32 to index
          %swap3A_406 = arith.index_cast %swap3A_403 : i32 to index
          %swap3A_407 = arith.index_cast %mul3A_401 : i32 to index
          %swap3A_408 = tpu.vector_load %arg9[%swap3A_404, %swap3A_405, %swap3A_406, %swap3A_407] {strides = array<i32>} : memref<8x4x8x128xf32, #tpu.memory_space<vmem>>, vector<16xf32>,
          tpu.vector_store %arg9[%swap3A_404, %swap3A_405, %swap3A_406, %swap3A_407], %gather3A_209 {strides = array<i32>} : memref<8x4x8x128xf32, #tpu.memory_space<vmem>>, vector<16xf32>,
          %mul3A_409 = arith.constant 16 : i32
          %mul3A_410 = arith.muli %scan3A_160, %mul3A_409 : i32
          %swap3A_411 = arith.constant 2 : i32
          %swap3A_412 = arith.constant 5 : i32
          %swap3A_413 = arith.index_cast %scan3A_149 : i32 to index
          %swap3A_414 = arith.index_cast %swap3A_411 : i32 to index
          %swap3A_415 = arith.index_cast %swap3A_412 : i32 to index
          %swap3A_416 = arith.index_cast %mul3A_410 : i32 to index
          %swap3A_417 = tpu.vector_load %arg9[%swap3A_413, %swap3A_414, %swap3A_415, %swap3A_416] {strides = array<i32>} : memref<8x4x8x128xf32, #tpu.memory_space<vmem>>, vector<16xf32>,
          tpu.vector_store %arg9[%swap3A_413, %swap3A_414, %swap3A_415, %swap3A_416], %gather3A_210 {strides = array<i32>} : memref<8x4x8x128xf32, #tpu.memory_space<vmem>>, vector<16xf32>,
          %mul3A_418 = arith.constant 16 : i32
          %mul3A_419 = arith.muli %scan3A_160, %mul3A_418 : i32
          %swap3A_420 = arith.constant 2 : i32
          %swap3A_421 = arith.constant 6 : i32
          %swap3A_422 = arith.index_cast %scan3A_149 : i32 to index
          %swap3A_423 = arith.index_cast %swap3A_420 : i32 to index
          %swap3A_424 = arith.index_cast %swap3A_421 : i32 to index
          %swap3A_425 = arith.index_cast %mul3A_419 : i32 to index
          %swap3A_426 = tpu.vector_load %arg9[%swap3A_422, %swap3A_423, %swap3A_424, %swap3A_425] {strides = array<i32>} : memref<8x4x8x128xf32, #tpu.memory_space<vmem>>, vector<16xf32>,
          tpu.vector_store %arg9[%swap3A_422, %swap3A_423, %swap3A_424, %swap3A_425], %gather3A_211 {strides = array<i32>} : memref<8x4x8x128xf32, #tpu.memory_space<vmem>>, vector<16xf32>,
          %mul3A_427 = arith.constant 16 : i32
          %mul3A_428 = arith.muli %scan3A_160, %mul3A_427 : i32
          %swap3A_429 = arith.constant 2 : i32
          %swap3A_430 = arith.constant 7 : i32
          %swap3A_431 = arith.index_cast %scan3A_149 : i32 to index
          %swap3A_432 = arith.index_cast %swap3A_429 : i32 to index
          %swap3A_433 = arith.index_cast %swap3A_430 : i32 to index
          %swap3A_434 = arith.index_cast %mul3A_428 : i32 to index
          %swap3A_435 = tpu.vector_load %arg9[%swap3A_431, %swap3A_432, %swap3A_433, %swap3A_434] {strides = array<i32>} : memref<8x4x8x128xf32, #tpu.memory_space<vmem>>, vector<16xf32>,
          tpu.vector_store %arg9[%swap3A_431, %swap3A_432, %swap3A_433, %swap3A_434], %gather3A_212 {strides = array<i32>} : memref<8x4x8x128xf32, #tpu.memory_space<vmem>>, vector<16xf32>,
          %mul3A_436 = arith.constant 16 : i32
          %mul3A_437 = arith.muli %scan3A_160, %mul3A_436 : i32
          %swap3A_438 = arith.constant 3 : i32
          %swap3A_439 = arith.constant 0 : i32
          %swap3A_440 = arith.index_cast %scan3A_149 : i32 to index
          %swap3A_441 = arith.index_cast %swap3A_438 : i32 to index
          %swap3A_442 = arith.index_cast %swap3A_439 : i32 to index
          %swap3A_443 = arith.index_cast %mul3A_437 : i32 to index
          %swap3A_444 = tpu.vector_load %arg9[%swap3A_440, %swap3A_441, %swap3A_442, %swap3A_443] {strides = array<i32>} : memref<8x4x8x128xf32, #tpu.memory_space<vmem>>, vector<16xf32>,
          tpu.vector_store %arg9[%swap3A_440, %swap3A_441, %swap3A_442, %swap3A_443], %gather3A_213 {strides = array<i32>} : memref<8x4x8x128xf32, #tpu.memory_space<vmem>>, vector<16xf32>,
          %mul3A_445 = arith.constant 16 : i32
          %mul3A_446 = arith.muli %scan3A_160, %mul3A_445 : i32
          %swap3A_447 = arith.constant 3 : i32
          %swap3A_448 = arith.constant 1 : i32
          %swap3A_449 = arith.index_cast %scan3A_149 : i32 to index
          %swap3A_450 = arith.index_cast %swap3A_447 : i32 to index
          %swap3A_451 = arith.index_cast %swap3A_448 : i32 to index
          %swap3A_452 = arith.index_cast %mul3A_446 : i32 to index
          %swap3A_453 = tpu.vector_load %arg9[%swap3A_449, %swap3A_450, %swap3A_451, %swap3A_452] {strides = array<i32>} : memref<8x4x8x128xf32, #tpu.memory_space<vmem>>, vector<16xf32>,
          tpu.vector_store %arg9[%swap3A_449, %swap3A_450, %swap3A_451, %swap3A_452], %gather3A_214 {strides = array<i32>} : memref<8x4x8x128xf32, #tpu.memory_space<vmem>>, vector<16xf32>,
          %mul3A_454 = arith.constant 16 : i32
          %mul3A_455 = arith.muli %scan3A_160, %mul3A_454 : i32
          %swap3A_456 = arith.constant 3 : i32
          %swap3A_457 = arith.constant 2 : i32
          %swap3A_458 = arith.index_cast %scan3A_149 : i32 to index
          %swap3A_459 = arith.index_cast %swap3A_456 : i32 to index
          %swap3A_460 = arith.index_cast %swap3A_457 : i32 to index
          %swap3A_461 = arith.index_cast %mul3A_455 : i32 to index
          %swap3A_462 = tpu.vector_load %arg9[%swap3A_458, %swap3A_459, %swap3A_460, %swap3A_461] {strides = array<i32>} : memref<8x4x8x128xf32, #tpu.memory_space<vmem>>, vector<16xf32>,
          tpu.vector_store %arg9[%swap3A_458, %swap3A_459, %swap3A_460, %swap3A_461], %gather3A_215 {strides = array<i32>} : memref<8x4x8x128xf32, #tpu.memory_space<vmem>>, vector<16xf32>,
          %mul3A_463 = arith.constant 16 : i32
          %mul3A_464 = arith.muli %scan3A_160, %mul3A_463 : i32
          %swap3A_465 = arith.constant 3 : i32
          %swap3A_466 = arith.constant 3 : i32
          %swap3A_467 = arith.index_cast %scan3A_149 : i32 to index
          %swap3A_468 = arith.index_cast %swap3A_465 : i32 to index
          %swap3A_469 = arith.index_cast %swap3A_466 : i32 to index
          %swap3A_470 = arith.index_cast %mul3A_464 : i32 to index
          %swap3A_471 = tpu.vector_load %arg9[%swap3A_467, %swap3A_468, %swap3A_469, %swap3A_470] {strides = array<i32>} : memref<8x4x8x128xf32, #tpu.memory_space<vmem>>, vector<16xf32>,
          tpu.vector_store %arg9[%swap3A_467, %swap3A_468, %swap3A_469, %swap3A_470], %gather3A_216 {strides = array<i32>} : memref<8x4x8x128xf32, #tpu.memory_space<vmem>>, vector<16xf32>,
          %mul3A_472 = arith.constant 16 : i32
          %mul3A_473 = arith.muli %scan3A_160, %mul3A_472 : i32
          %swap3A_474 = arith.constant 3 : i32
          %swap3A_475 = arith.constant 4 : i32
          %swap3A_476 = arith.index_cast %scan3A_149 : i32 to index
          %swap3A_477 = arith.index_cast %swap3A_474 : i32 to index
          %swap3A_478 = arith.index_cast %swap3A_475 : i32 to index
          %swap3A_479 = arith.index_cast %mul3A_473 : i32 to index
          %swap3A_480 = tpu.vector_load %arg9[%swap3A_476, %swap3A_477, %swap3A_478, %swap3A_479] {strides = array<i32>} : memref<8x4x8x128xf32, #tpu.memory_space<vmem>>, vector<16xf32>,
          tpu.vector_store %arg9[%swap3A_476, %swap3A_477, %swap3A_478, %swap3A_479], %gather3A_217 {strides = array<i32>} : memref<8x4x8x128xf32, #tpu.memory_space<vmem>>, vector<16xf32>,
          %mul3A_481 = arith.constant 16 : i32
          %mul3A_482 = arith.muli %scan3A_160, %mul3A_481 : i32
          %swap3A_483 = arith.constant 3 : i32
          %swap3A_484 = arith.constant 5 : i32
          %swap3A_485 = arith.index_cast %scan3A_149 : i32 to index
          %swap3A_486 = arith.index_cast %swap3A_483 : i32 to index
          %swap3A_487 = arith.index_cast %swap3A_484 : i32 to index
          %swap3A_488 = arith.index_cast %mul3A_482 : i32 to index
          %swap3A_489 = tpu.vector_load %arg9[%swap3A_485, %swap3A_486, %swap3A_487, %swap3A_488] {strides = array<i32>} : memref<8x4x8x128xf32, #tpu.memory_space<vmem>>, vector<16xf32>,
          tpu.vector_store %arg9[%swap3A_485, %swap3A_486, %swap3A_487, %swap3A_488], %gather3A_218 {strides = array<i32>} : memref<8x4x8x128xf32, #tpu.memory_space<vmem>>, vector<16xf32>,
          %mul3A_490 = arith.constant 16 : i32
          %mul3A_491 = arith.muli %scan3A_160, %mul3A_490 : i32
          %swap3A_492 = arith.constant 3 : i32
          %swap3A_493 = arith.constant 6 : i32
          %swap3A_494 = arith.index_cast %scan3A_149 : i32 to index
          %swap3A_495 = arith.index_cast %swap3A_492 : i32 to index
          %swap3A_496 = arith.index_cast %swap3A_493 : i32 to index
          %swap3A_497 = arith.index_cast %mul3A_491 : i32 to index
          %swap3A_498 = tpu.vector_load %arg9[%swap3A_494, %swap3A_495, %swap3A_496, %swap3A_497] {strides = array<i32>} : memref<8x4x8x128xf32, #tpu.memory_space<vmem>>, vector<16xf32>,
          tpu.vector_store %arg9[%swap3A_494, %swap3A_495, %swap3A_496, %swap3A_497], %gather3A_219 {strides = array<i32>} : memref<8x4x8x128xf32, #tpu.memory_space<vmem>>, vector<16xf32>,
          %mul3A_499 = arith.constant 16 : i32
          %mul3A_500 = arith.muli %scan3A_160, %mul3A_499 : i32
          %swap3A_501 = arith.constant 3 : i32
          %swap3A_502 = arith.constant 7 : i32
          %swap3A_503 = arith.index_cast %scan3A_149 : i32 to index
          %swap3A_504 = arith.index_cast %swap3A_501 : i32 to index
          %swap3A_505 = arith.index_cast %swap3A_502 : i32 to index
          %swap3A_506 = arith.index_cast %mul3A_500 : i32 to index
          %swap3A_507 = tpu.vector_load %arg9[%swap3A_503, %swap3A_504, %swap3A_505, %swap3A_506] {strides = array<i32>} : memref<8x4x8x128xf32, #tpu.memory_space<vmem>>, vector<16xf32>,
          tpu.vector_store %arg9[%swap3A_503, %swap3A_504, %swap3A_505, %swap3A_506], %gather3A_220 {strides = array<i32>} : memref<8x4x8x128xf32, #tpu.memory_space<vmem>>, vector<16xf32>,
          %scan3A_508 = arith.constant 0 : i32
          scf.yield %scan3A_508 : i32
        }
        %scan3A_158 = arith.constant 8 : i32
        %scan3A_159 = arith.constant 0 : i32
        scf.yield %scan3A_159 : i32
      }
      %scan3A_140 = arith.constant 8 : i32
      %mul3A_141 = arith.constant 4 : i32
      %mul3A_142 = arith.muli %add3A, %mul3A_141 : i32
      %dma_start3A_143 = arith.constant 0 : i32
      %dma_start3A_144 = arith.constant 0 : i32
      %dma_start3A_145 = tpu.memref_slice %arg4[%mul3A_112, %mul3A_142, %dma_start3A_143, %dma_start3A_144] : memref<200x128x8x128xf32, #tpu.memory_space<hbm>> -> memref<8x4x8x128xf32, #tpu.memory_space<hbm>>
      %dma_start3A_146 = arith.constant 0 : i32
      %dma_start3A_147 = arith.constant 0 : i32
      %dma_start3A_148 = tpu.memref_slice %arg4[%mul3A_112, %mul3A_142, %dma_start3A_146, %dma_start3A_147] : memref<200x128x8x128xf32, #tpu.memory_space<hbm>> -> memref<8x4x8x128xf32, #tpu.memory_space<hbm>>
      tpu.enqueue_dma source(%arg9 : memref<8x4x8x128xf32, #tpu.memory_space<vmem>>) target(%dma_start3A_148 : memref<8x4x8x128xf32, #tpu.memory_space<hbm>>) target_semaphore(%arg11 : memref<!tpu.dma_semaphore, #tpu.memory_space<semaphore_mem>>)
    }
    %scan3A_6 = arith.constant 12 : i32
    %mul3A_7 = arith.constant 4 : i32
    %mul3A_8 = arith.muli %add3A, %mul3A_7 : i32
    %dma_wait3A = arith.constant 176 : i32
    %dma_wait3A_9 = arith.constant 0 : i32
    %dma_wait3A_10 = arith.constant 0 : i32
    %dma_wait3A_11 = tpu.memref_slice %arg4[%dma_wait3A, %mul3A_8, %dma_wait3A_9, %dma_wait3A_10] : memref<200x128x8x128xf32, #tpu.memory_space<hbm>> -> memref<8x4x8x128xf32, #tpu.memory_space<hbm>>
    %dma_wait3A_12 = arith.constant 176 : i32
    %dma_wait3A_13 = arith.constant 0 : i32
    %dma_wait3A_14 = arith.constant 0 : i32
    %dma_wait3A_15 = tpu.memref_slice %arg4[%dma_wait3A_12, %mul3A_8, %dma_wait3A_13, %dma_wait3A_14] : memref<200x128x8x128xf32, #tpu.memory_space<hbm>> -> memref<8x4x8x128xf32, #tpu.memory_space<hbm>>
    tpu.wait_dma2 semaphore(%arg10 : memref<!tpu.dma_semaphore, #tpu.memory_space<semaphore_mem>>) src(%arg8 : memref<8x4x8x128xf32, #tpu.memory_space<vmem>>) dst(%dma_wait3A_15 : memref<8x4x8x128xf32, #tpu.memory_space<hbm>>)
    "tpu.region"() ({
      %run_scoped3A = tpu.sem_alloc : memref<!tpu.dma_semaphore, #tpu.memory_space<semaphore_mem>>
      %dma_start3A_67 = arith.constant 192 : i32
      %dma_start3A_68 = tpu.memref_slice %arg2[%mul3A_2, %dma_start3A_67] : memref<16384x200xi32, #tpu.memory_space<hbm>> -> memref<512x8xi32, #tpu.memory_space<hbm>>
      %dma_start3A_69 = arith.constant 192 : i32
      %dma_start3A_70 = tpu.memref_slice %arg2[%mul3A_2, %dma_start3A_69] : memref<16384x200xi32, #tpu.memory_space<hbm>> -> memref<512x8xi32, #tpu.memory_space<hbm>>
      tpu.enqueue_dma source(%dma_start3A_70 : memref<512x8xi32, #tpu.memory_space<hbm>>) target(%arg6 : memref<512x8xi32, #tpu.memory_space<vmem>>) target_semaphore(%run_scoped3A : memref<!tpu.dma_semaphore, #tpu.memory_space<semaphore_mem>>)
      %dma_wait3A_71 = arith.constant 192 : i32
      %dma_wait3A_72 = tpu.memref_slice %arg2[%mul3A_2, %dma_wait3A_71] : memref<16384x200xi32, #tpu.memory_space<hbm>> -> memref<512x8xi32, #tpu.memory_space<hbm>>
      %dma_wait3A_73 = arith.constant 192 : i32
      %dma_wait3A_74 = tpu.memref_slice %arg2[%mul3A_2, %dma_wait3A_73] : memref<16384x200xi32, #tpu.memory_space<hbm>> -> memref<512x8xi32, #tpu.memory_space<hbm>>
      tpu.wait_dma2 semaphore(%run_scoped3A : memref<!tpu.dma_semaphore, #tpu.memory_space<semaphore_mem>>) src(%dma_wait3A_74 : memref<512x8xi32, #tpu.memory_space<hbm>>) dst(%arg6 : memref<512x8xi32, #tpu.memory_space<vmem>>)
      tpu.yield
    }) : () -> ()
    %broadcast_in_dim3A = arith.constant 0 : i32
    %broadcast_in_dim3A_16 = vector.broadcast %broadcast_in_dim3A : i32 to vector<16xi32>
    %broadcast_in_dim3A_17 = arith.constant 1 : i32
    %broadcast_in_dim3A_18 = vector.broadcast %broadcast_in_dim3A_17 : i32 to vector<16xi32>
    %broadcast_in_dim3A_19 = arith.constant 2 : i32
    %broadcast_in_dim3A_20 = vector.broadcast %broadcast_in_dim3A_19 : i32 to vector<16xi32>
    %broadcast_in_dim3A_21 = arith.constant 3 : i32
    %broadcast_in_dim3A_22 = vector.broadcast %broadcast_in_dim3A_21 : i32 to vector<16xi32>
    %broadcast_in_dim3A_23 = arith.constant 4 : i32
    %broadcast_in_dim3A_24 = vector.broadcast %broadcast_in_dim3A_23 : i32 to vector<16xi32>
    %broadcast_in_dim3A_25 = arith.constant 5 : i32
    %broadcast_in_dim3A_26 = vector.broadcast %broadcast_in_dim3A_25 : i32 to vector<16xi32>
    %broadcast_in_dim3A_27 = arith.constant 6 : i32
    %broadcast_in_dim3A_28 = vector.broadcast %broadcast_in_dim3A_27 : i32 to vector<16xi32>
    %broadcast_in_dim3A_29 = arith.constant 7 : i32
    %broadcast_in_dim3A_30 = vector.broadcast %broadcast_in_dim3A_29 : i32 to vector<16xi32>
    %scan3A_31 = arith.constant 0 : i32
    %scan3A_32 = arith.constant 0 : i32
    %scan3A_33 = arith.constant 8 : i32
    %scan3A_34 = arith.addi %scan3A_32, %scan3A_33 : i32
    %scan3A_35 = arith.constant 1 : i32
    %scan3A_36 = scf.for %scan3A_67 = %scan3A_32 to %scan3A_34 step %scan3A_35 iter_args(%scan3A_68 = %scan3A_31) -> (i32)  : i32 {
      %broadcast_in_dim3A_69 = vector.broadcast %scan3A_67 : i32 to vector<16xi32>
      %scan3A_70 = arith.constant 0 : i32
      %scan3A_71 = arith.constant 0 : i32
      %scan3A_72 = arith.constant 8 : i32
      %scan3A_73 = arith.addi %scan3A_71, %scan3A_72 : i32
      %scan3A_74 = arith.constant 1 : i32
      %scan3A_75 = scf.for %scan3A_78 = %scan3A_71 to %scan3A_73 step %scan3A_74 iter_args(%scan3A_79 = %scan3A_70) -> (i32)  : i32 {
        %mul3A_80 = arith.constant 16 : i32
        %mul3A_81 = arith.muli %scan3A_78, %mul3A_80 : i32
        %add3A_82 = arith.constant 0 : i32
        %add3A_83 = arith.addi %add3A_82, %mul3A_81 : i32
        %add3A_84 = vector.broadcast %add3A_83 : i32 to vector<16xi32>
        %add3A_85 = arith.addi %iota3A, %add3A_84 : vector<16xi32>
        %gather3A = tpu.vector_load_idx %arg6[%add3A_85, %broadcast_in_dim3A_69] : memref<512x8xi32, #tpu.memory_space<vmem>>[vector<16xi32>, vector<16xi32>], vector<16xi32>,
        %mul3A_86 = arith.constant 16 : i32
        %mul3A_87 = arith.muli %scan3A_78, %mul3A_86 : i32
        %add3A_88 = arith.constant 128 : i32
        %add3A_89 = arith.addi %add3A_88, %mul3A_87 : i32
        %add3A_90 = vector.broadcast %add3A_89 : i32 to vector<16xi32>
        %add3A_91 = arith.addi %iota3A, %add3A_90 : vector<16xi32>
        %gather3A_92 = tpu.vector_load_idx %arg6[%add3A_91, %broadcast_in_dim3A_69] : memref<512x8xi32, #tpu.memory_space<vmem>>[vector<16xi32>, vector<16xi32>], vector<16xi32>,
        %mul3A_93 = arith.constant 16 : i32
        %mul3A_94 = arith.muli %scan3A_78, %mul3A_93 : i32
        %add3A_95 = arith.constant 256 : i32
        %add3A_96 = arith.addi %add3A_95, %mul3A_94 : i32
        %add3A_97 = vector.broadcast %add3A_96 : i32 to vector<16xi32>
        %add3A_98 = arith.addi %iota3A, %add3A_97 : vector<16xi32>
        %gather3A_99 = tpu.vector_load_idx %arg6[%add3A_98, %broadcast_in_dim3A_69] : memref<512x8xi32, #tpu.memory_space<vmem>>[vector<16xi32>, vector<16xi32>], vector<16xi32>,
        %mul3A_100 = arith.constant 16 : i32
        %mul3A_101 = arith.muli %scan3A_78, %mul3A_100 : i32
        %add3A_102 = arith.constant 384 : i32
        %add3A_103 = arith.addi %add3A_102, %mul3A_101 : i32
        %add3A_104 = vector.broadcast %add3A_103 : i32 to vector<16xi32>
        %add3A_105 = arith.addi %iota3A, %add3A_104 : vector<16xi32>
        %gather3A_106 = tpu.vector_load_idx %arg6[%add3A_105, %broadcast_in_dim3A_69] : memref<512x8xi32, #tpu.memory_space<vmem>>[vector<16xi32>, vector<16xi32>], vector<16xi32>,
        %gather3A_107 = tpu.vector_load_idx %arg5[%gather3A, %broadcast_in_dim3A_16] : memref<32x8xf32, #tpu.memory_space<vmem>>[vector<16xi32>, vector<16xi32>], vector<16xf32>,
        %gather3A_108 = tpu.vector_load_idx %arg5[%gather3A, %broadcast_in_dim3A_18] : memref<32x8xf32, #tpu.memory_space<vmem>>[vector<16xi32>, vector<16xi32>], vector<16xf32>,
        %gather3A_109 = tpu.vector_load_idx %arg5[%gather3A, %broadcast_in_dim3A_20] : memref<32x8xf32, #tpu.memory_space<vmem>>[vector<16xi32>, vector<16xi32>], vector<16xf32>,
        %gather3A_110 = tpu.vector_load_idx %arg5[%gather3A, %broadcast_in_dim3A_22] : memref<32x8xf32, #tpu.memory_space<vmem>>[vector<16xi32>, vector<16xi32>], vector<16xf32>,
        %gather3A_111 = tpu.vector_load_idx %arg5[%gather3A, %broadcast_in_dim3A_24] : memref<32x8xf32, #tpu.memory_space<vmem>>[vector<16xi32>, vector<16xi32>], vector<16xf32>,
        %gather3A_112 = tpu.vector_load_idx %arg5[%gather3A, %broadcast_in_dim3A_26] : memref<32x8xf32, #tpu.memory_space<vmem>>[vector<16xi32>, vector<16xi32>], vector<16xf32>,
        %gather3A_113 = tpu.vector_load_idx %arg5[%gather3A, %broadcast_in_dim3A_28] : memref<32x8xf32, #tpu.memory_space<vmem>>[vector<16xi32>, vector<16xi32>], vector<16xf32>,
        %gather3A_114 = tpu.vector_load_idx %arg5[%gather3A, %broadcast_in_dim3A_30] : memref<32x8xf32, #tpu.memory_space<vmem>>[vector<16xi32>, vector<16xi32>], vector<16xf32>,
        %gather3A_115 = tpu.vector_load_idx %arg5[%gather3A_92, %broadcast_in_dim3A_16] : memref<32x8xf32, #tpu.memory_space<vmem>>[vector<16xi32>, vector<16xi32>], vector<16xf32>,
        %gather3A_116 = tpu.vector_load_idx %arg5[%gather3A_92, %broadcast_in_dim3A_18] : memref<32x8xf32, #tpu.memory_space<vmem>>[vector<16xi32>, vector<16xi32>], vector<16xf32>,
        %gather3A_117 = tpu.vector_load_idx %arg5[%gather3A_92, %broadcast_in_dim3A_20] : memref<32x8xf32, #tpu.memory_space<vmem>>[vector<16xi32>, vector<16xi32>], vector<16xf32>,
        %gather3A_118 = tpu.vector_load_idx %arg5[%gather3A_92, %broadcast_in_dim3A_22] : memref<32x8xf32, #tpu.memory_space<vmem>>[vector<16xi32>, vector<16xi32>], vector<16xf32>,
        %gather3A_119 = tpu.vector_load_idx %arg5[%gather3A_92, %broadcast_in_dim3A_24] : memref<32x8xf32, #tpu.memory_space<vmem>>[vector<16xi32>, vector<16xi32>], vector<16xf32>,
        %gather3A_120 = tpu.vector_load_idx %arg5[%gather3A_92, %broadcast_in_dim3A_26] : memref<32x8xf32, #tpu.memory_space<vmem>>[vector<16xi32>, vector<16xi32>], vector<16xf32>,
        %gather3A_121 = tpu.vector_load_idx %arg5[%gather3A_92, %broadcast_in_dim3A_28] : memref<32x8xf32, #tpu.memory_space<vmem>>[vector<16xi32>, vector<16xi32>], vector<16xf32>,
        %gather3A_122 = tpu.vector_load_idx %arg5[%gather3A_92, %broadcast_in_dim3A_30] : memref<32x8xf32, #tpu.memory_space<vmem>>[vector<16xi32>, vector<16xi32>], vector<16xf32>,
        %gather3A_123 = tpu.vector_load_idx %arg5[%gather3A_99, %broadcast_in_dim3A_16] : memref<32x8xf32, #tpu.memory_space<vmem>>[vector<16xi32>, vector<16xi32>], vector<16xf32>,
        %gather3A_124 = tpu.vector_load_idx %arg5[%gather3A_99, %broadcast_in_dim3A_18] : memref<32x8xf32, #tpu.memory_space<vmem>>[vector<16xi32>, vector<16xi32>], vector<16xf32>,
        %gather3A_125 = tpu.vector_load_idx %arg5[%gather3A_99, %broadcast_in_dim3A_20] : memref<32x8xf32, #tpu.memory_space<vmem>>[vector<16xi32>, vector<16xi32>], vector<16xf32>,
        %gather3A_126 = tpu.vector_load_idx %arg5[%gather3A_99, %broadcast_in_dim3A_22] : memref<32x8xf32, #tpu.memory_space<vmem>>[vector<16xi32>, vector<16xi32>], vector<16xf32>,
        %gather3A_127 = tpu.vector_load_idx %arg5[%gather3A_99, %broadcast_in_dim3A_24] : memref<32x8xf32, #tpu.memory_space<vmem>>[vector<16xi32>, vector<16xi32>], vector<16xf32>,
        %gather3A_128 = tpu.vector_load_idx %arg5[%gather3A_99, %broadcast_in_dim3A_26] : memref<32x8xf32, #tpu.memory_space<vmem>>[vector<16xi32>, vector<16xi32>], vector<16xf32>,
        %gather3A_129 = tpu.vector_load_idx %arg5[%gather3A_99, %broadcast_in_dim3A_28] : memref<32x8xf32, #tpu.memory_space<vmem>>[vector<16xi32>, vector<16xi32>], vector<16xf32>,
        %gather3A_130 = tpu.vector_load_idx %arg5[%gather3A_99, %broadcast_in_dim3A_30] : memref<32x8xf32, #tpu.memory_space<vmem>>[vector<16xi32>, vector<16xi32>], vector<16xf32>,
        %gather3A_131 = tpu.vector_load_idx %arg5[%gather3A_106, %broadcast_in_dim3A_16] : memref<32x8xf32, #tpu.memory_space<vmem>>[vector<16xi32>, vector<16xi32>], vector<16xf32>,
        %gather3A_132 = tpu.vector_load_idx %arg5[%gather3A_106, %broadcast_in_dim3A_18] : memref<32x8xf32, #tpu.memory_space<vmem>>[vector<16xi32>, vector<16xi32>], vector<16xf32>,
        %gather3A_133 = tpu.vector_load_idx %arg5[%gather3A_106, %broadcast_in_dim3A_20] : memref<32x8xf32, #tpu.memory_space<vmem>>[vector<16xi32>, vector<16xi32>], vector<16xf32>,
        %gather3A_134 = tpu.vector_load_idx %arg5[%gather3A_106, %broadcast_in_dim3A_22] : memref<32x8xf32, #tpu.memory_space<vmem>>[vector<16xi32>, vector<16xi32>], vector<16xf32>,
        %gather3A_135 = tpu.vector_load_idx %arg5[%gather3A_106, %broadcast_in_dim3A_24] : memref<32x8xf32, #tpu.memory_space<vmem>>[vector<16xi32>, vector<16xi32>], vector<16xf32>,
        %gather3A_136 = tpu.vector_load_idx %arg5[%gather3A_106, %broadcast_in_dim3A_26] : memref<32x8xf32, #tpu.memory_space<vmem>>[vector<16xi32>, vector<16xi32>], vector<16xf32>,
        %gather3A_137 = tpu.vector_load_idx %arg5[%gather3A_106, %broadcast_in_dim3A_28] : memref<32x8xf32, #tpu.memory_space<vmem>>[vector<16xi32>, vector<16xi32>], vector<16xf32>,
        %gather3A_138 = tpu.vector_load_idx %arg5[%gather3A_106, %broadcast_in_dim3A_30] : memref<32x8xf32, #tpu.memory_space<vmem>>[vector<16xi32>, vector<16xi32>], vector<16xf32>,
        %mul3A_139 = arith.constant 16 : i32
        %mul3A_140 = arith.muli %scan3A_78, %mul3A_139 : i32
        %swap3A = arith.constant 0 : i32
        %swap3A_141 = arith.constant 0 : i32
        %swap3A_142 = arith.index_cast %scan3A_67 : i32 to index
        %swap3A_143 = arith.index_cast %swap3A : i32 to index
        %swap3A_144 = arith.index_cast %swap3A_141 : i32 to index
        %swap3A_145 = arith.index_cast %mul3A_140 : i32 to index
        %swap3A_146 = tpu.vector_load %arg8[%swap3A_142, %swap3A_143, %swap3A_144, %swap3A_145] {strides = array<i32>} : memref<8x4x8x128xf32, #tpu.memory_space<vmem>>, vector<16xf32>,
        tpu.vector_store %arg8[%swap3A_142, %swap3A_143, %swap3A_144, %swap3A_145], %gather3A_107 {strides = array<i32>} : memref<8x4x8x128xf32, #tpu.memory_space<vmem>>, vector<16xf32>,
        %mul3A_147 = arith.constant 16 : i32
        %mul3A_148 = arith.muli %scan3A_78, %mul3A_147 : i32
        %swap3A_149 = arith.constant 0 : i32
        %swap3A_150 = arith.constant 1 : i32
        %swap3A_151 = arith.index_cast %scan3A_67 : i32 to index
        %swap3A_152 = arith.index_cast %swap3A_149 : i32 to index
        %swap3A_153 = arith.index_cast %swap3A_150 : i32 to index
        %swap3A_154 = arith.index_cast %mul3A_148 : i32 to index
        %swap3A_155 = tpu.vector_load %arg8[%swap3A_151, %swap3A_152, %swap3A_153, %swap3A_154] {strides = array<i32>} : memref<8x4x8x128xf32, #tpu.memory_space<vmem>>, vector<16xf32>,
        tpu.vector_store %arg8[%swap3A_151, %swap3A_152, %swap3A_153, %swap3A_154], %gather3A_108 {strides = array<i32>} : memref<8x4x8x128xf32, #tpu.memory_space<vmem>>, vector<16xf32>,
        %mul3A_156 = arith.constant 16 : i32
        %mul3A_157 = arith.muli %scan3A_78, %mul3A_156 : i32
        %swap3A_158 = arith.constant 0 : i32
        %swap3A_159 = arith.constant 2 : i32
        %swap3A_160 = arith.index_cast %scan3A_67 : i32 to index
        %swap3A_161 = arith.index_cast %swap3A_158 : i32 to index
        %swap3A_162 = arith.index_cast %swap3A_159 : i32 to index
        %swap3A_163 = arith.index_cast %mul3A_157 : i32 to index
        %swap3A_164 = tpu.vector_load %arg8[%swap3A_160, %swap3A_161, %swap3A_162, %swap3A_163] {strides = array<i32>} : memref<8x4x8x128xf32, #tpu.memory_space<vmem>>, vector<16xf32>,
        tpu.vector_store %arg8[%swap3A_160, %swap3A_161, %swap3A_162, %swap3A_163], %gather3A_109 {strides = array<i32>} : memref<8x4x8x128xf32, #tpu.memory_space<vmem>>, vector<16xf32>,
        %mul3A_165 = arith.constant 16 : i32
        %mul3A_166 = arith.muli %scan3A_78, %mul3A_165 : i32
        %swap3A_167 = arith.constant 0 : i32
        %swap3A_168 = arith.constant 3 : i32
        %swap3A_169 = arith.index_cast %scan3A_67 : i32 to index
        %swap3A_170 = arith.index_cast %swap3A_167 : i32 to index
        %swap3A_171 = arith.index_cast %swap3A_168 : i32 to index
        %swap3A_172 = arith.index_cast %mul3A_166 : i32 to index
        %swap3A_173 = tpu.vector_load %arg8[%swap3A_169, %swap3A_170, %swap3A_171, %swap3A_172] {strides = array<i32>} : memref<8x4x8x128xf32, #tpu.memory_space<vmem>>, vector<16xf32>,
        tpu.vector_store %arg8[%swap3A_169, %swap3A_170, %swap3A_171, %swap3A_172], %gather3A_110 {strides = array<i32>} : memref<8x4x8x128xf32, #tpu.memory_space<vmem>>, vector<16xf32>,
        %mul3A_174 = arith.constant 16 : i32
        %mul3A_175 = arith.muli %scan3A_78, %mul3A_174 : i32
        %swap3A_176 = arith.constant 0 : i32
        %swap3A_177 = arith.constant 4 : i32
        %swap3A_178 = arith.index_cast %scan3A_67 : i32 to index
        %swap3A_179 = arith.index_cast %swap3A_176 : i32 to index
        %swap3A_180 = arith.index_cast %swap3A_177 : i32 to index
        %swap3A_181 = arith.index_cast %mul3A_175 : i32 to index
        %swap3A_182 = tpu.vector_load %arg8[%swap3A_178, %swap3A_179, %swap3A_180, %swap3A_181] {strides = array<i32>} : memref<8x4x8x128xf32, #tpu.memory_space<vmem>>, vector<16xf32>,
        tpu.vector_store %arg8[%swap3A_178, %swap3A_179, %swap3A_180, %swap3A_181], %gather3A_111 {strides = array<i32>} : memref<8x4x8x128xf32, #tpu.memory_space<vmem>>, vector<16xf32>,
        %mul3A_183 = arith.constant 16 : i32
        %mul3A_184 = arith.muli %scan3A_78, %mul3A_183 : i32
        %swap3A_185 = arith.constant 0 : i32
        %swap3A_186 = arith.constant 5 : i32
        %swap3A_187 = arith.index_cast %scan3A_67 : i32 to index
        %swap3A_188 = arith.index_cast %swap3A_185 : i32 to index
        %swap3A_189 = arith.index_cast %swap3A_186 : i32 to index
        %swap3A_190 = arith.index_cast %mul3A_184 : i32 to index
        %swap3A_191 = tpu.vector_load %arg8[%swap3A_187, %swap3A_188, %swap3A_189, %swap3A_190] {strides = array<i32>} : memref<8x4x8x128xf32, #tpu.memory_space<vmem>>, vector<16xf32>,
        tpu.vector_store %arg8[%swap3A_187, %swap3A_188, %swap3A_189, %swap3A_190], %gather3A_112 {strides = array<i32>} : memref<8x4x8x128xf32, #tpu.memory_space<vmem>>, vector<16xf32>,
        %mul3A_192 = arith.constant 16 : i32
        %mul3A_193 = arith.muli %scan3A_78, %mul3A_192 : i32
        %swap3A_194 = arith.constant 0 : i32
        %swap3A_195 = arith.constant 6 : i32
        %swap3A_196 = arith.index_cast %scan3A_67 : i32 to index
        %swap3A_197 = arith.index_cast %swap3A_194 : i32 to index
        %swap3A_198 = arith.index_cast %swap3A_195 : i32 to index
        %swap3A_199 = arith.index_cast %mul3A_193 : i32 to index
        %swap3A_200 = tpu.vector_load %arg8[%swap3A_196, %swap3A_197, %swap3A_198, %swap3A_199] {strides = array<i32>} : memref<8x4x8x128xf32, #tpu.memory_space<vmem>>, vector<16xf32>,
        tpu.vector_store %arg8[%swap3A_196, %swap3A_197, %swap3A_198, %swap3A_199], %gather3A_113 {strides = array<i32>} : memref<8x4x8x128xf32, #tpu.memory_space<vmem>>, vector<16xf32>,
        %mul3A_201 = arith.constant 16 : i32
        %mul3A_202 = arith.muli %scan3A_78, %mul3A_201 : i32
        %swap3A_203 = arith.constant 0 : i32
        %swap3A_204 = arith.constant 7 : i32
        %swap3A_205 = arith.index_cast %scan3A_67 : i32 to index
        %swap3A_206 = arith.index_cast %swap3A_203 : i32 to index
        %swap3A_207 = arith.index_cast %swap3A_204 : i32 to index
        %swap3A_208 = arith.index_cast %mul3A_202 : i32 to index
        %swap3A_209 = tpu.vector_load %arg8[%swap3A_205, %swap3A_206, %swap3A_207, %swap3A_208] {strides = array<i32>} : memref<8x4x8x128xf32, #tpu.memory_space<vmem>>, vector<16xf32>,
        tpu.vector_store %arg8[%swap3A_205, %swap3A_206, %swap3A_207, %swap3A_208], %gather3A_114 {strides = array<i32>} : memref<8x4x8x128xf32, #tpu.memory_space<vmem>>, vector<16xf32>,
        %mul3A_210 = arith.constant 16 : i32
        %mul3A_211 = arith.muli %scan3A_78, %mul3A_210 : i32
        %swap3A_212 = arith.constant 1 : i32
        %swap3A_213 = arith.constant 0 : i32
        %swap3A_214 = arith.index_cast %scan3A_67 : i32 to index
        %swap3A_215 = arith.index_cast %swap3A_212 : i32 to index
        %swap3A_216 = arith.index_cast %swap3A_213 : i32 to index
        %swap3A_217 = arith.index_cast %mul3A_211 : i32 to index
        %swap3A_218 = tpu.vector_load %arg8[%swap3A_214, %swap3A_215, %swap3A_216, %swap3A_217] {strides = array<i32>} : memref<8x4x8x128xf32, #tpu.memory_space<vmem>>, vector<16xf32>,
        tpu.vector_store %arg8[%swap3A_214, %swap3A_215, %swap3A_216, %swap3A_217], %gather3A_115 {strides = array<i32>} : memref<8x4x8x128xf32, #tpu.memory_space<vmem>>, vector<16xf32>,
        %mul3A_219 = arith.constant 16 : i32
        %mul3A_220 = arith.muli %scan3A_78, %mul3A_219 : i32
        %swap3A_221 = arith.constant 1 : i32
        %swap3A_222 = arith.constant 1 : i32
        %swap3A_223 = arith.index_cast %scan3A_67 : i32 to index
        %swap3A_224 = arith.index_cast %swap3A_221 : i32 to index
        %swap3A_225 = arith.index_cast %swap3A_222 : i32 to index
        %swap3A_226 = arith.index_cast %mul3A_220 : i32 to index
        %swap3A_227 = tpu.vector_load %arg8[%swap3A_223, %swap3A_224, %swap3A_225, %swap3A_226] {strides = array<i32>} : memref<8x4x8x128xf32, #tpu.memory_space<vmem>>, vector<16xf32>,
        tpu.vector_store %arg8[%swap3A_223, %swap3A_224, %swap3A_225, %swap3A_226], %gather3A_116 {strides = array<i32>} : memref<8x4x8x128xf32, #tpu.memory_space<vmem>>, vector<16xf32>,
        %mul3A_228 = arith.constant 16 : i32
        %mul3A_229 = arith.muli %scan3A_78, %mul3A_228 : i32
        %swap3A_230 = arith.constant 1 : i32
        %swap3A_231 = arith.constant 2 : i32
        %swap3A_232 = arith.index_cast %scan3A_67 : i32 to index
        %swap3A_233 = arith.index_cast %swap3A_230 : i32 to index
        %swap3A_234 = arith.index_cast %swap3A_231 : i32 to index
        %swap3A_235 = arith.index_cast %mul3A_229 : i32 to index
        %swap3A_236 = tpu.vector_load %arg8[%swap3A_232, %swap3A_233, %swap3A_234, %swap3A_235] {strides = array<i32>} : memref<8x4x8x128xf32, #tpu.memory_space<vmem>>, vector<16xf32>,
        tpu.vector_store %arg8[%swap3A_232, %swap3A_233, %swap3A_234, %swap3A_235], %gather3A_117 {strides = array<i32>} : memref<8x4x8x128xf32, #tpu.memory_space<vmem>>, vector<16xf32>,
        %mul3A_237 = arith.constant 16 : i32
        %mul3A_238 = arith.muli %scan3A_78, %mul3A_237 : i32
        %swap3A_239 = arith.constant 1 : i32
        %swap3A_240 = arith.constant 3 : i32
        %swap3A_241 = arith.index_cast %scan3A_67 : i32 to index
        %swap3A_242 = arith.index_cast %swap3A_239 : i32 to index
        %swap3A_243 = arith.index_cast %swap3A_240 : i32 to index
        %swap3A_244 = arith.index_cast %mul3A_238 : i32 to index
        %swap3A_245 = tpu.vector_load %arg8[%swap3A_241, %swap3A_242, %swap3A_243, %swap3A_244] {strides = array<i32>} : memref<8x4x8x128xf32, #tpu.memory_space<vmem>>, vector<16xf32>,
        tpu.vector_store %arg8[%swap3A_241, %swap3A_242, %swap3A_243, %swap3A_244], %gather3A_118 {strides = array<i32>} : memref<8x4x8x128xf32, #tpu.memory_space<vmem>>, vector<16xf32>,
        %mul3A_246 = arith.constant 16 : i32
        %mul3A_247 = arith.muli %scan3A_78, %mul3A_246 : i32
        %swap3A_248 = arith.constant 1 : i32
        %swap3A_249 = arith.constant 4 : i32
        %swap3A_250 = arith.index_cast %scan3A_67 : i32 to index
        %swap3A_251 = arith.index_cast %swap3A_248 : i32 to index
        %swap3A_252 = arith.index_cast %swap3A_249 : i32 to index
        %swap3A_253 = arith.index_cast %mul3A_247 : i32 to index
        %swap3A_254 = tpu.vector_load %arg8[%swap3A_250, %swap3A_251, %swap3A_252, %swap3A_253] {strides = array<i32>} : memref<8x4x8x128xf32, #tpu.memory_space<vmem>>, vector<16xf32>,
        tpu.vector_store %arg8[%swap3A_250, %swap3A_251, %swap3A_252, %swap3A_253], %gather3A_119 {strides = array<i32>} : memref<8x4x8x128xf32, #tpu.memory_space<vmem>>, vector<16xf32>,
        %mul3A_255 = arith.constant 16 : i32
        %mul3A_256 = arith.muli %scan3A_78, %mul3A_255 : i32
        %swap3A_257 = arith.constant 1 : i32
        %swap3A_258 = arith.constant 5 : i32
        %swap3A_259 = arith.index_cast %scan3A_67 : i32 to index
        %swap3A_260 = arith.index_cast %swap3A_257 : i32 to index
        %swap3A_261 = arith.index_cast %swap3A_258 : i32 to index
        %swap3A_262 = arith.index_cast %mul3A_256 : i32 to index
        %swap3A_263 = tpu.vector_load %arg8[%swap3A_259, %swap3A_260, %swap3A_261, %swap3A_262] {strides = array<i32>} : memref<8x4x8x128xf32, #tpu.memory_space<vmem>>, vector<16xf32>,
        tpu.vector_store %arg8[%swap3A_259, %swap3A_260, %swap3A_261, %swap3A_262], %gather3A_120 {strides = array<i32>} : memref<8x4x8x128xf32, #tpu.memory_space<vmem>>, vector<16xf32>,
        %mul3A_264 = arith.constant 16 : i32
        %mul3A_265 = arith.muli %scan3A_78, %mul3A_264 : i32
        %swap3A_266 = arith.constant 1 : i32
        %swap3A_267 = arith.constant 6 : i32
        %swap3A_268 = arith.index_cast %scan3A_67 : i32 to index
        %swap3A_269 = arith.index_cast %swap3A_266 : i32 to index
        %swap3A_270 = arith.index_cast %swap3A_267 : i32 to index
        %swap3A_271 = arith.index_cast %mul3A_265 : i32 to index
        %swap3A_272 = tpu.vector_load %arg8[%swap3A_268, %swap3A_269, %swap3A_270, %swap3A_271] {strides = array<i32>} : memref<8x4x8x128xf32, #tpu.memory_space<vmem>>, vector<16xf32>,
        tpu.vector_store %arg8[%swap3A_268, %swap3A_269, %swap3A_270, %swap3A_271], %gather3A_121 {strides = array<i32>} : memref<8x4x8x128xf32, #tpu.memory_space<vmem>>, vector<16xf32>,
        %mul3A_273 = arith.constant 16 : i32
        %mul3A_274 = arith.muli %scan3A_78, %mul3A_273 : i32
        %swap3A_275 = arith.constant 1 : i32
        %swap3A_276 = arith.constant 7 : i32
        %swap3A_277 = arith.index_cast %scan3A_67 : i32 to index
        %swap3A_278 = arith.index_cast %swap3A_275 : i32 to index
        %swap3A_279 = arith.index_cast %swap3A_276 : i32 to index
        %swap3A_280 = arith.index_cast %mul3A_274 : i32 to index
        %swap3A_281 = tpu.vector_load %arg8[%swap3A_277, %swap3A_278, %swap3A_279, %swap3A_280] {strides = array<i32>} : memref<8x4x8x128xf32, #tpu.memory_space<vmem>>, vector<16xf32>,
        tpu.vector_store %arg8[%swap3A_277, %swap3A_278, %swap3A_279, %swap3A_280], %gather3A_122 {strides = array<i32>} : memref<8x4x8x128xf32, #tpu.memory_space<vmem>>, vector<16xf32>,
        %mul3A_282 = arith.constant 16 : i32
        %mul3A_283 = arith.muli %scan3A_78, %mul3A_282 : i32
        %swap3A_284 = arith.constant 2 : i32
        %swap3A_285 = arith.constant 0 : i32
        %swap3A_286 = arith.index_cast %scan3A_67 : i32 to index
        %swap3A_287 = arith.index_cast %swap3A_284 : i32 to index
        %swap3A_288 = arith.index_cast %swap3A_285 : i32 to index
        %swap3A_289 = arith.index_cast %mul3A_283 : i32 to index
        %swap3A_290 = tpu.vector_load %arg8[%swap3A_286, %swap3A_287, %swap3A_288, %swap3A_289] {strides = array<i32>} : memref<8x4x8x128xf32, #tpu.memory_space<vmem>>, vector<16xf32>,
        tpu.vector_store %arg8[%swap3A_286, %swap3A_287, %swap3A_288, %swap3A_289], %gather3A_123 {strides = array<i32>} : memref<8x4x8x128xf32, #tpu.memory_space<vmem>>, vector<16xf32>,
        %mul3A_291 = arith.constant 16 : i32
        %mul3A_292 = arith.muli %scan3A_78, %mul3A_291 : i32
        %swap3A_293 = arith.constant 2 : i32
        %swap3A_294 = arith.constant 1 : i32
        %swap3A_295 = arith.index_cast %scan3A_67 : i32 to index
        %swap3A_296 = arith.index_cast %swap3A_293 : i32 to index
        %swap3A_297 = arith.index_cast %swap3A_294 : i32 to index
        %swap3A_298 = arith.index_cast %mul3A_292 : i32 to index
        %swap3A_299 = tpu.vector_load %arg8[%swap3A_295, %swap3A_296, %swap3A_297, %swap3A_298] {strides = array<i32>} : memref<8x4x8x128xf32, #tpu.memory_space<vmem>>, vector<16xf32>,
        tpu.vector_store %arg8[%swap3A_295, %swap3A_296, %swap3A_297, %swap3A_298], %gather3A_124 {strides = array<i32>} : memref<8x4x8x128xf32, #tpu.memory_space<vmem>>, vector<16xf32>,
        %mul3A_300 = arith.constant 16 : i32
        %mul3A_301 = arith.muli %scan3A_78, %mul3A_300 : i32
        %swap3A_302 = arith.constant 2 : i32
        %swap3A_303 = arith.constant 2 : i32
        %swap3A_304 = arith.index_cast %scan3A_67 : i32 to index
        %swap3A_305 = arith.index_cast %swap3A_302 : i32 to index
        %swap3A_306 = arith.index_cast %swap3A_303 : i32 to index
        %swap3A_307 = arith.index_cast %mul3A_301 : i32 to index
        %swap3A_308 = tpu.vector_load %arg8[%swap3A_304, %swap3A_305, %swap3A_306, %swap3A_307] {strides = array<i32>} : memref<8x4x8x128xf32, #tpu.memory_space<vmem>>, vector<16xf32>,
        tpu.vector_store %arg8[%swap3A_304, %swap3A_305, %swap3A_306, %swap3A_307], %gather3A_125 {strides = array<i32>} : memref<8x4x8x128xf32, #tpu.memory_space<vmem>>, vector<16xf32>,
        %mul3A_309 = arith.constant 16 : i32
        %mul3A_310 = arith.muli %scan3A_78, %mul3A_309 : i32
        %swap3A_311 = arith.constant 2 : i32
        %swap3A_312 = arith.constant 3 : i32
        %swap3A_313 = arith.index_cast %scan3A_67 : i32 to index
        %swap3A_314 = arith.index_cast %swap3A_311 : i32 to index
        %swap3A_315 = arith.index_cast %swap3A_312 : i32 to index
        %swap3A_316 = arith.index_cast %mul3A_310 : i32 to index
        %swap3A_317 = tpu.vector_load %arg8[%swap3A_313, %swap3A_314, %swap3A_315, %swap3A_316] {strides = array<i32>} : memref<8x4x8x128xf32, #tpu.memory_space<vmem>>, vector<16xf32>,
        tpu.vector_store %arg8[%swap3A_313, %swap3A_314, %swap3A_315, %swap3A_316], %gather3A_126 {strides = array<i32>} : memref<8x4x8x128xf32, #tpu.memory_space<vmem>>, vector<16xf32>,
        %mul3A_318 = arith.constant 16 : i32
        %mul3A_319 = arith.muli %scan3A_78, %mul3A_318 : i32
        %swap3A_320 = arith.constant 2 : i32
        %swap3A_321 = arith.constant 4 : i32
        %swap3A_322 = arith.index_cast %scan3A_67 : i32 to index
        %swap3A_323 = arith.index_cast %swap3A_320 : i32 to index
        %swap3A_324 = arith.index_cast %swap3A_321 : i32 to index
        %swap3A_325 = arith.index_cast %mul3A_319 : i32 to index
        %swap3A_326 = tpu.vector_load %arg8[%swap3A_322, %swap3A_323, %swap3A_324, %swap3A_325] {strides = array<i32>} : memref<8x4x8x128xf32, #tpu.memory_space<vmem>>, vector<16xf32>,
        tpu.vector_store %arg8[%swap3A_322, %swap3A_323, %swap3A_324, %swap3A_325], %gather3A_127 {strides = array<i32>} : memref<8x4x8x128xf32, #tpu.memory_space<vmem>>, vector<16xf32>,
        %mul3A_327 = arith.constant 16 : i32
        %mul3A_328 = arith.muli %scan3A_78, %mul3A_327 : i32
        %swap3A_329 = arith.constant 2 : i32
        %swap3A_330 = arith.constant 5 : i32
        %swap3A_331 = arith.index_cast %scan3A_67 : i32 to index
        %swap3A_332 = arith.index_cast %swap3A_329 : i32 to index
        %swap3A_333 = arith.index_cast %swap3A_330 : i32 to index
        %swap3A_334 = arith.index_cast %mul3A_328 : i32 to index
        %swap3A_335 = tpu.vector_load %arg8[%swap3A_331, %swap3A_332, %swap3A_333, %swap3A_334] {strides = array<i32>} : memref<8x4x8x128xf32, #tpu.memory_space<vmem>>, vector<16xf32>,
        tpu.vector_store %arg8[%swap3A_331, %swap3A_332, %swap3A_333, %swap3A_334], %gather3A_128 {strides = array<i32>} : memref<8x4x8x128xf32, #tpu.memory_space<vmem>>, vector<16xf32>,
        %mul3A_336 = arith.constant 16 : i32
        %mul3A_337 = arith.muli %scan3A_78, %mul3A_336 : i32
        %swap3A_338 = arith.constant 2 : i32
        %swap3A_339 = arith.constant 6 : i32
        %swap3A_340 = arith.index_cast %scan3A_67 : i32 to index
        %swap3A_341 = arith.index_cast %swap3A_338 : i32 to index
        %swap3A_342 = arith.index_cast %swap3A_339 : i32 to index
        %swap3A_343 = arith.index_cast %mul3A_337 : i32 to index
        %swap3A_344 = tpu.vector_load %arg8[%swap3A_340, %swap3A_341, %swap3A_342, %swap3A_343] {strides = array<i32>} : memref<8x4x8x128xf32, #tpu.memory_space<vmem>>, vector<16xf32>,
        tpu.vector_store %arg8[%swap3A_340, %swap3A_341, %swap3A_342, %swap3A_343], %gather3A_129 {strides = array<i32>} : memref<8x4x8x128xf32, #tpu.memory_space<vmem>>, vector<16xf32>,
        %mul3A_345 = arith.constant 16 : i32
        %mul3A_346 = arith.muli %scan3A_78, %mul3A_345 : i32
        %swap3A_347 = arith.constant 2 : i32
        %swap3A_348 = arith.constant 7 : i32
        %swap3A_349 = arith.index_cast %scan3A_67 : i32 to index
        %swap3A_350 = arith.index_cast %swap3A_347 : i32 to index
        %swap3A_351 = arith.index_cast %swap3A_348 : i32 to index
        %swap3A_352 = arith.index_cast %mul3A_346 : i32 to index
        %swap3A_353 = tpu.vector_load %arg8[%swap3A_349, %swap3A_350, %swap3A_351, %swap3A_352] {strides = array<i32>} : memref<8x4x8x128xf32, #tpu.memory_space<vmem>>, vector<16xf32>,
        tpu.vector_store %arg8[%swap3A_349, %swap3A_350, %swap3A_351, %swap3A_352], %gather3A_130 {strides = array<i32>} : memref<8x4x8x128xf32, #tpu.memory_space<vmem>>, vector<16xf32>,
        %mul3A_354 = arith.constant 16 : i32
        %mul3A_355 = arith.muli %scan3A_78, %mul3A_354 : i32
        %swap3A_356 = arith.constant 3 : i32
        %swap3A_357 = arith.constant 0 : i32
        %swap3A_358 = arith.index_cast %scan3A_67 : i32 to index
        %swap3A_359 = arith.index_cast %swap3A_356 : i32 to index
        %swap3A_360 = arith.index_cast %swap3A_357 : i32 to index
        %swap3A_361 = arith.index_cast %mul3A_355 : i32 to index
        %swap3A_362 = tpu.vector_load %arg8[%swap3A_358, %swap3A_359, %swap3A_360, %swap3A_361] {strides = array<i32>} : memref<8x4x8x128xf32, #tpu.memory_space<vmem>>, vector<16xf32>,
        tpu.vector_store %arg8[%swap3A_358, %swap3A_359, %swap3A_360, %swap3A_361], %gather3A_131 {strides = array<i32>} : memref<8x4x8x128xf32, #tpu.memory_space<vmem>>, vector<16xf32>,
        %mul3A_363 = arith.constant 16 : i32
        %mul3A_364 = arith.muli %scan3A_78, %mul3A_363 : i32
        %swap3A_365 = arith.constant 3 : i32
        %swap3A_366 = arith.constant 1 : i32
        %swap3A_367 = arith.index_cast %scan3A_67 : i32 to index
        %swap3A_368 = arith.index_cast %swap3A_365 : i32 to index
        %swap3A_369 = arith.index_cast %swap3A_366 : i32 to index
        %swap3A_370 = arith.index_cast %mul3A_364 : i32 to index
        %swap3A_371 = tpu.vector_load %arg8[%swap3A_367, %swap3A_368, %swap3A_369, %swap3A_370] {strides = array<i32>} : memref<8x4x8x128xf32, #tpu.memory_space<vmem>>, vector<16xf32>,
        tpu.vector_store %arg8[%swap3A_367, %swap3A_368, %swap3A_369, %swap3A_370], %gather3A_132 {strides = array<i32>} : memref<8x4x8x128xf32, #tpu.memory_space<vmem>>, vector<16xf32>,
        %mul3A_372 = arith.constant 16 : i32
        %mul3A_373 = arith.muli %scan3A_78, %mul3A_372 : i32
        %swap3A_374 = arith.constant 3 : i32
        %swap3A_375 = arith.constant 2 : i32
        %swap3A_376 = arith.index_cast %scan3A_67 : i32 to index
        %swap3A_377 = arith.index_cast %swap3A_374 : i32 to index
        %swap3A_378 = arith.index_cast %swap3A_375 : i32 to index
        %swap3A_379 = arith.index_cast %mul3A_373 : i32 to index
        %swap3A_380 = tpu.vector_load %arg8[%swap3A_376, %swap3A_377, %swap3A_378, %swap3A_379] {strides = array<i32>} : memref<8x4x8x128xf32, #tpu.memory_space<vmem>>, vector<16xf32>,
        tpu.vector_store %arg8[%swap3A_376, %swap3A_377, %swap3A_378, %swap3A_379], %gather3A_133 {strides = array<i32>} : memref<8x4x8x128xf32, #tpu.memory_space<vmem>>, vector<16xf32>,
        %mul3A_381 = arith.constant 16 : i32
        %mul3A_382 = arith.muli %scan3A_78, %mul3A_381 : i32
        %swap3A_383 = arith.constant 3 : i32
        %swap3A_384 = arith.constant 3 : i32
        %swap3A_385 = arith.index_cast %scan3A_67 : i32 to index
        %swap3A_386 = arith.index_cast %swap3A_383 : i32 to index
        %swap3A_387 = arith.index_cast %swap3A_384 : i32 to index
        %swap3A_388 = arith.index_cast %mul3A_382 : i32 to index
        %swap3A_389 = tpu.vector_load %arg8[%swap3A_385, %swap3A_386, %swap3A_387, %swap3A_388] {strides = array<i32>} : memref<8x4x8x128xf32, #tpu.memory_space<vmem>>, vector<16xf32>,
        tpu.vector_store %arg8[%swap3A_385, %swap3A_386, %swap3A_387, %swap3A_388], %gather3A_134 {strides = array<i32>} : memref<8x4x8x128xf32, #tpu.memory_space<vmem>>, vector<16xf32>,
        %mul3A_390 = arith.constant 16 : i32
        %mul3A_391 = arith.muli %scan3A_78, %mul3A_390 : i32
        %swap3A_392 = arith.constant 3 : i32
        %swap3A_393 = arith.constant 4 : i32
        %swap3A_394 = arith.index_cast %scan3A_67 : i32 to index
        %swap3A_395 = arith.index_cast %swap3A_392 : i32 to index
        %swap3A_396 = arith.index_cast %swap3A_393 : i32 to index
        %swap3A_397 = arith.index_cast %mul3A_391 : i32 to index
        %swap3A_398 = tpu.vector_load %arg8[%swap3A_394, %swap3A_395, %swap3A_396, %swap3A_397] {strides = array<i32>} : memref<8x4x8x128xf32, #tpu.memory_space<vmem>>, vector<16xf32>,
        tpu.vector_store %arg8[%swap3A_394, %swap3A_395, %swap3A_396, %swap3A_397], %gather3A_135 {strides = array<i32>} : memref<8x4x8x128xf32, #tpu.memory_space<vmem>>, vector<16xf32>,
        %mul3A_399 = arith.constant 16 : i32
        %mul3A_400 = arith.muli %scan3A_78, %mul3A_399 : i32
        %swap3A_401 = arith.constant 3 : i32
        %swap3A_402 = arith.constant 5 : i32
        %swap3A_403 = arith.index_cast %scan3A_67 : i32 to index
        %swap3A_404 = arith.index_cast %swap3A_401 : i32 to index
        %swap3A_405 = arith.index_cast %swap3A_402 : i32 to index
        %swap3A_406 = arith.index_cast %mul3A_400 : i32 to index
        %swap3A_407 = tpu.vector_load %arg8[%swap3A_403, %swap3A_404, %swap3A_405, %swap3A_406] {strides = array<i32>} : memref<8x4x8x128xf32, #tpu.memory_space<vmem>>, vector<16xf32>,
        tpu.vector_store %arg8[%swap3A_403, %swap3A_404, %swap3A_405, %swap3A_406], %gather3A_136 {strides = array<i32>} : memref<8x4x8x128xf32, #tpu.memory_space<vmem>>, vector<16xf32>,
        %mul3A_408 = arith.constant 16 : i32
        %mul3A_409 = arith.muli %scan3A_78, %mul3A_408 : i32
        %swap3A_410 = arith.constant 3 : i32
        %swap3A_411 = arith.constant 6 : i32
        %swap3A_412 = arith.index_cast %scan3A_67 : i32 to index
        %swap3A_413 = arith.index_cast %swap3A_410 : i32 to index
        %swap3A_414 = arith.index_cast %swap3A_411 : i32 to index
        %swap3A_415 = arith.index_cast %mul3A_409 : i32 to index
        %swap3A_416 = tpu.vector_load %arg8[%swap3A_412, %swap3A_413, %swap3A_414, %swap3A_415] {strides = array<i32>} : memref<8x4x8x128xf32, #tpu.memory_space<vmem>>, vector<16xf32>,
        tpu.vector_store %arg8[%swap3A_412, %swap3A_413, %swap3A_414, %swap3A_415], %gather3A_137 {strides = array<i32>} : memref<8x4x8x128xf32, #tpu.memory_space<vmem>>, vector<16xf32>,
        %mul3A_417 = arith.constant 16 : i32
        %mul3A_418 = arith.muli %scan3A_78, %mul3A_417 : i32
        %swap3A_419 = arith.constant 3 : i32
        %swap3A_420 = arith.constant 7 : i32
        %swap3A_421 = arith.index_cast %scan3A_67 : i32 to index
        %swap3A_422 = arith.index_cast %swap3A_419 : i32 to index
        %swap3A_423 = arith.index_cast %swap3A_420 : i32 to index
        %swap3A_424 = arith.index_cast %mul3A_418 : i32 to index
        %swap3A_425 = tpu.vector_load %arg8[%swap3A_421, %swap3A_422, %swap3A_423, %swap3A_424] {strides = array<i32>} : memref<8x4x8x128xf32, #tpu.memory_space<vmem>>, vector<16xf32>,
        tpu.vector_store %arg8[%swap3A_421, %swap3A_422, %swap3A_423, %swap3A_424], %gather3A_138 {strides = array<i32>} : memref<8x4x8x128xf32, #tpu.memory_space<vmem>>, vector<16xf32>,
        %scan3A_426 = arith.constant 0 : i32
        scf.yield %scan3A_426 : i32
      }
      %scan3A_76 = arith.constant 8 : i32
      %scan3A_77 = arith.constant 0 : i32
      scf.yield %scan3A_77 : i32
    }
    %scan3A_37 = arith.constant 8 : i32
    %mul3A_38 = arith.constant 4 : i32
    %mul3A_39 = arith.muli %add3A, %mul3A_38 : i32
    %dma_start3A = arith.constant 192 : i32
    %dma_start3A_40 = arith.constant 0 : i32
    %dma_start3A_41 = arith.constant 0 : i32
    %dma_start3A_42 = tpu.memref_slice %arg4[%dma_start3A, %mul3A_39, %dma_start3A_40, %dma_start3A_41] : memref<200x128x8x128xf32, #tpu.memory_space<hbm>> -> memref<8x4x8x128xf32, #tpu.memory_space<hbm>>
    %dma_start3A_43 = arith.constant 192 : i32
    %dma_start3A_44 = arith.constant 0 : i32
    %dma_start3A_45 = arith.constant 0 : i32
    %dma_start3A_46 = tpu.memref_slice %arg4[%dma_start3A_43, %mul3A_39, %dma_start3A_44, %dma_start3A_45] : memref<200x128x8x128xf32, #tpu.memory_space<hbm>> -> memref<8x4x8x128xf32, #tpu.memory_space<hbm>>
    tpu.enqueue_dma source(%arg8 : memref<8x4x8x128xf32, #tpu.memory_space<vmem>>) target(%dma_start3A_46 : memref<8x4x8x128xf32, #tpu.memory_space<hbm>>) target_semaphore(%arg10 : memref<!tpu.dma_semaphore, #tpu.memory_space<semaphore_mem>>)
    %mul3A_47 = arith.constant 4 : i32
    %mul3A_48 = arith.muli %add3A, %mul3A_47 : i32
    %dma_wait3A_49 = arith.constant 184 : i32
    %dma_wait3A_50 = arith.constant 0 : i32
    %dma_wait3A_51 = arith.constant 0 : i32
    %dma_wait3A_52 = tpu.memref_slice %arg4[%dma_wait3A_49, %mul3A_48, %dma_wait3A_50, %dma_wait3A_51] : memref<200x128x8x128xf32, #tpu.memory_space<hbm>> -> memref<8x4x8x128xf32, #tpu.memory_space<hbm>>
    %dma_wait3A_53 = arith.constant 184 : i32
    %dma_wait3A_54 = arith.constant 0 : i32
    %dma_wait3A_55 = arith.constant 0 : i32
    %dma_wait3A_56 = tpu.memref_slice %arg4[%dma_wait3A_53, %mul3A_48, %dma_wait3A_54, %dma_wait3A_55] : memref<200x128x8x128xf32, #tpu.memory_space<hbm>> -> memref<8x4x8x128xf32, #tpu.memory_space<hbm>>
    tpu.wait_dma2 semaphore(%arg11 : memref<!tpu.dma_semaphore, #tpu.memory_space<semaphore_mem>>) src(%arg9 : memref<8x4x8x128xf32, #tpu.memory_space<vmem>>) dst(%dma_wait3A_56 : memref<8x4x8x128xf32, #tpu.memory_space<hbm>>)
    %mul3A_57 = arith.constant 4 : i32
    %mul3A_58 = arith.muli %add3A, %mul3A_57 : i32
    %dma_wait3A_59 = arith.constant 192 : i32
    %dma_wait3A_60 = arith.constant 0 : i32
    %dma_wait3A_61 = arith.constant 0 : i32
    %dma_wait3A_62 = tpu.memref_slice %arg4[%dma_wait3A_59, %mul3A_58, %dma_wait3A_60, %dma_wait3A_61] : memref<200x128x8x128xf32, #tpu.memory_space<hbm>> -> memref<8x4x8x128xf32, #tpu.memory_space<hbm>>
    %dma_wait3A_63 = arith.constant 192 : i32
    %dma_wait3A_64 = arith.constant 0 : i32
    %dma_wait3A_65 = arith.constant 0 : i32
    %dma_wait3A_66 = tpu.memref_slice %arg4[%dma_wait3A_63, %mul3A_58, %dma_wait3A_64, %dma_wait3A_65] : memref<200x128x8x128xf32, #tpu.memory_space<hbm>> -> memref<8x4x8x128xf32, #tpu.memory_space<hbm>>
    tpu.wait_dma2 semaphore(%arg10 : memref<!tpu.dma_semaphore, #tpu.memory_space<semaphore_mem>>) src(%arg8 : memref<8x4x8x128xf32, #tpu.memory_space<vmem>>) dst(%dma_wait3A_66 : memref<8x4x8x128xf32, #tpu.memory_space<hbm>>)
    return
  }
}

</mosaic_0001>

<sc_bundles>
// kernel: _run.3.cloned.1.call-start
scs
__scs_entry_jumppad:
0x0: {  	(pc) =	sbr.rel $0x88, $3  }
0x1: {  	(tag) =	ssettag $0x0;
	lr =	simm.s32 $0x1  }
0x2: {  	[smem:$0x3F9F] =	sst lr;
	_ =	strace $0xD0000000  }
0x3: {  	_ = 	snop  }
0x4: {  	_ = 	snop  }
0x5: {  	_ = 	snop  }
0x6: {  	_ = 	snop  }
0x7: {  	_ = 	snop  }
__scs_overlays_trampoline_lowered:
0x8: {  	[smem:$0x3FAE] =	sst s0  }
0x9: {  	[smem:$0x3FAF] =	sst s1  }
0xa: {  	[smem:$0x3FB0] =	sst s2  }
0xb: {  	[smem:$0x3FB1] =	sst s3  }
0xc: {  	[smem:$0x3FB2] =	sst s4  }
0xd: {  	[smem:$0x3FB3] =	sst s5  }
0xe: {  	[smem:$0x3FB4] =	sst s6  }
0xf: {  	[smem:$0x3FB5] =	sst s7  }
0x10: {  	[smem:$0x3FB6] =	sst s8  }
0x11: {  	[smem:$0x3FB7] =	sst s9;
	s0 =	simm.s32 @!p0 $0x0  }
0x12: {  	s1 =	sld [smem:$0x3F9D];
	s0 =	simm.s32 @p0 $0x1  }
0x13: {  	[smem:$0x3FB8] =	sst s0;
	s0 =	simm.s32 @!p1 $0x0  }
0x14: {  	s2 =	sld [smem:$0x3F9C];
	s0 =	simm.s32 @p1 $0x1  }
0x15: {  	[smem:$0x3FB9] =	sst s0;
	s0 =	simm.s32 @!p2 $0x0  }
0x16: {  	s3 =	sld [smem:$0x3FDB];
	s0 =	simm.s32 @p2 $0x1  }
0x17: {  	s4 =	simm.s32 $0x1BF5;
	[smem:$0x3FBB] =	sst s0  }
0x18: {  	s0 =	sld [smem:$0x3F9E];
	_ =	swait.ge [sflag:s4], $0x0  }
0x19: {  	s7 =	sld [smem:$0x3F9F]  }
0x1a: {  	s8 =	sadd.s32 $0xFFFFE003, lr  }
0x1b: {  	s9 =	sadd.s32 $0xFFFFFEF7, lr;
	s5 =	simm.s32 $0xFFFFFFFF;
	p2 =	slt.u32 s8, $0xFFFFF086  }
0x1c: {  	p1 =	slt.u32 s9, $0xF7A;
	s5 =	simm.s32 @!p2 $0x0  }
0x1d: {  	s5 =	simm.s32 @p1 $0x1;
	p0 =	seq.s32 s7, s2  }
0x1e: {  	s7 =	smul.u32 @!p0 $0xF7A, s2;
	p2 =	seq.s32 @!p0 s5, $0x0  }
0x1f: {  	s9 =	smul.u32 $0xF7A, s1;
	s8 =	simm.s32 @!p0 $0x1BF5;
	p2 =	por !p2, p0  }
0x20: {  	[sflag:s8] =	ssyncset.s32 @!p0 $0xFFFFF086;
	s6 =	sadd.s32 @!p0 s3, s7;
	s7 =	simm.s32 @!p0 $0x108  }
0x21: {  	s3 =	sadd.s32 s3, s9;
	s6 =	sadd.s32 @!p0 $0x88, s6;
	s7 =	simm.s32 @p2 $0x1082  }
0x22: {  	[simem:s7], [sflag:s8] =	dma.local @!p0 [hbm:s6], $0xF7A  }
0x23: {  	s9 =	sor.u32 $0xD0000000, s2;
	s6 =	simm.s32 $0x108;
	_ =	swait.ge @!p0 [sflag:s8], $0x0  }
0x24: {  	s3 =	sadd.s32 $0x88, s3;
	s6 =	simm.s32 @!p1 $0x1082;
	[sflag:s4] =	ssyncset.s32 $0xFFFFF086  }
0x25: {  	[simem:s6], [sflag:s4] =	dma.local [hbm:s3], $0xF7A  }
0x26: {  	[smem:$0x3F9F] =	sst s1;
	(tag) =	ssettag s2;
	_ =	strace s9  }
0x27: {  	s1 =	sld [smem:$0x3FAF]  }
0x28: {  	s2 =	sld [smem:$0x3FB0]  }
0x29: {  	s4 =	sld [smem:$0x3FB2]  }
0x2a: {  	p0 =	seq.s32 s5, $0x0;
	s5 =	sld [smem:$0x3FB3]  }
0x2b: {  	s6 =	sld [smem:$0x3FB4]  }
0x2c: {  	s7 =	sld [smem:$0x3FB5]  }
0x2d: {  	s3 =	simm.s32 $0x108;
	s8 =	sld [smem:$0x3FB6]  }
0x2e: {  	s3 =	simm.s32 @!p0 $0x1082;
	s9 =	sld [smem:$0x3FB7]  }
0x2f: {  	lr =	sadd.s32 s0, s3;
	s0 =	sld [smem:$0x3FAE]  }
0x30: {  	s3 =	sld [smem:$0x3FB1]  }
0x31: {  	[smem:$0x3FBA] =	sst s10  }
0x32: {  	s10 =	sld [smem:$0x3FB8];
	_ =	sdelay $0x3  }
0x33: {  	p0 =	seq.s32 s10, $0x1;
	s10 =	sld [smem:$0x3FBA];
	_ =	sdelay $0x3  }
0x34: {  	[smem:$0x3FBA] =	sst s10  }
0x35: {  	s10 =	sld [smem:$0x3FB9];
	_ =	sdelay $0x3  }
0x36: {  	p1 =	seq.s32 s10, $0x1;
	s10 =	sld [smem:$0x3FBA];
	_ =	sdelay $0x3  }
0x37: {  	[smem:$0x3FBA] =	sst s10  }
0x38: {  	s10 =	sld [smem:$0x3FBB]  }
0x39: {  	_ = 	snop;
	(pc) =	sbr.ind lr, $3  }
0x3a: {  	_ = 	snop  }
0x3b: {  	_ = 	snop  }
0x3c: {  	p2 =	seq.s32 s10, $0x1;
	s10 =	sld [smem:$0x3FBA]  }
0x3d: {  	_ =	shalt  }
0x3e: {  	_ =	shalt  }
0x3f: {  	_ =	shalt  }
0x40: {  	_ =	shalt  }
0x41: {  	_ =	shalt  }
0x42: {  	_ =	shalt  }
0x43: {  	_ =	shalt  }
0x44: {  	_ =	shalt  }
0x45: {  	_ =	shalt  }
0x46: {  	_ =	shalt  }
0x47: {  	_ =	shalt  }
0x48: {  	_ =	shalt  }
0x49: {  	_ =	shalt  }
0x4a: {  	_ =	shalt  }
0x4b: {  	_ =	shalt  }
0x4c: {  	_ =	shalt  }
0x4d: {  	_ =	shalt  }
0x4e: {  	_ =	shalt  }
0x4f: {  	_ =	shalt  }
0x50: {  	_ =	shalt  }
0x51: {  	_ =	shalt  }
0x52: {  	_ =	shalt  }
0x53: {  	_ =	shalt  }
0x54: {  	_ =	shalt  }
0x55: {  	_ =	shalt  }
0x56: {  	_ =	shalt  }
0x57: {  	_ =	shalt  }
0x58: {  	_ =	shalt  }
0x59: {  	_ =	shalt  }
0x5a: {  	_ =	shalt  }
0x5b: {  	_ =	shalt  }
0x5c: {  	_ =	shalt  }
0x5d: {  	_ =	shalt  }
0x5e: {  	_ =	shalt  }
0x5f: {  	_ =	shalt  }
0x60: {  	_ =	shalt  }
0x61: {  	_ =	shalt  }
0x62: {  	_ =	shalt  }
0x63: {  	_ =	shalt  }
0x64: {  	_ =	shalt  }
0x65: {  	_ =	shalt  }
0x66: {  	_ =	shalt  }
0x67: {  	_ =	shalt  }
0x68: {  	_ =	shalt  }
0x69: {  	_ =	shalt  }
0x6a: {  	_ =	shalt  }
0x6b: {  	_ =	shalt  }
0x6c: {  	_ =	shalt  }
0x6d: {  	_ =	shalt  }
0x6e: {  	_ =	shalt  }
0x6f: {  	_ =	shalt  }
0x70: {  	_ =	shalt  }
0x71: {  	_ =	shalt  }
0x72: {  	_ =	shalt  }
0x73: {  	_ =	shalt  }
0x74: {  	_ =	shalt  }
0x75: {  	_ =	shalt  }
0x76: {  	_ =	shalt  }
0x77: {  	_ =	shalt  }
0x78: {  	_ =	shalt  }
0x79: {  	_ =	shalt  }
0x7a: {  	_ =	shalt  }
0x7b: {  	_ =	shalt  }
0x7c: {  	_ =	shalt  }
0x7d: {  	_ =	shalt  }
0x7e: {  	_ =	shalt  }
0x7f: {  	_ =	shalt  }
0x80: {  	_ =	shalt  }
0x81: {  	_ =	shalt  }
0x82: {  	_ =	shalt  }
0x83: {  	_ =	shalt  }
0x84: {  	_ =	shalt  }
0x85: {  	_ =	shalt  }
0x86: {  	_ =	shalt  }
0x87: {  	_ =	shalt  }
.Lfunc_end0:
.L_simem_size_0:
called_computation_lowered:
.L_overlay_start_0:
0x88: {  	s2 =	sld [smem:$0x3FD9]  }
0x89: {  	s3 =	sld [smem:$0x3FFE];
	_ =	sdelay $0x1  }
0x8a: {  	s1 =	srdreg.scid  }
0x8b: {  	s0 =	sand.u32 $0x1, s1  }
0x8c: {  	s17 =	sshll.u32 s0, $0xA;
	s2 =	sadd.s32 s3, s2  }
0x8d: {  	s2 =	sadd.s32 s2, s17  }
0x8e: {  	[smem:$0x3FC6] =	sst s2  }
0x8f: {  	_ = 	snop  }
0x90: {  	s2 =	sld [smem:$0x3FD0];
	(tm) =	ssettm $0x1  }
0x91: {  	s18 =	sld [smem:$0x3FFB];
	_ =	sdelay $0x3  }
0x92: {  	_ =	strace s18  }
0x93: {  	s3 =	sld [smem:$0x3FFC];
	_ =	sdelay $0x3  }
0x94: {  	_ =	strace s3  }
0x95: {  	s3 =	sld [smem:$0x3FFD];
	_ =	sdelay $0x3  }
0x96: {  	_ =	strace s3  }
0x97: {  	_ =	strace $0x8FFFFFFF  }
0x98: {  	s19 =	sld [smem:$0x3FDB];
	_ =	sdelay $0x1  }
0x99: {  	s4 =	simm.s32 $_scs_section_size  }
0x9a: {  	s5 =	simm.s32 $_size__tile_overlayer_lowered;
	s6 =	simm.s32 $_tile_overlayer_lowered  }
0x9b: {  	s22 =	simm.s32 $0x1BFF;
	s21 =	sshll.u32 s6, $0x1;
	s3 =	sadd.s32 s4, s19  }
0x9c: {  	s7 =	simm.s32 $0x0;
	s20 =	sshll.u32 s5, $0x1;
	s5 =	sadd.s32 s21, s3  }
0x9d: {  	[timem:s7], [sflag:s22] =	dma.local [hbm:s5], s20  }
0x9e: {  	_ =	swait.ge [sflag:s22], s20  }
0x9f: {  	s4 =	ssub.s32 $0x0, s20;
	[sflag:s22] =	ssyncset.done $0x0  }
0xa0: {  	[sflag:s22] =	ssyncadd.s32 s4;
	_ =	sdelay $0x1  }
0xa1: {  	s23 =	simm.s32 $0x1B8B  }
0xa2: {  	_ =	swait.ge [sflag:s23], $0x1  }
0xa3: {  	[sflag:s23] =	ssyncset.done $0x0  }
0xa4: {  	s25 =	simm.s32 $0x1B8E;
	s24 =	sld [smem:$0x3FFE];
	[sflag:s23] =	ssyncadd.s32 $0xFFFFFFFF  }
0xa5: {  	s26 =	simm.s32 $execute0_lowered;
	[smem:$0x3FD2] =	sst s25  }
0xa6: {  	s5 =	sshll.u32 s26, $0x1;
	_ =	strace $0x80000046;
	[dreg:$0x1] =	wrdreg $0xFFFFFFFF  }
0xa7: {  	s28 =	simm.s32 $_size_execute0_lowered;
	s3 =	sadd.s32 s3, s5;
	[dreg:$0x0] =	wrdreg $0x0  }
0xa8: {  	s5 =	sshll.u32 s28, $0x1;
	[dreg:$0x2] =	wrdreg s3  }
0xa9: {  	[dreg:$0x3] =	wrdreg s5  }
0xaa: {  	[dreg:$0x4] =	wrdreg $0xC0  }
0xab: {  	_ =	task [dreg:s7], $0x5FFFF  }
0xac: {  	[dreg:$0x1] =	wrdreg $0xFFFFFFFF  }
0xad: {  	[dreg:$0x0] =	wrdreg $0x60  }
0xae: {  	[dreg:$0x2] =	wrdreg s24  }
0xaf: {  	[dreg:$0x3] =	wrdreg s2  }
0xb0: {  	[dreg:$0x4] =	wrdreg $0x9  }
0xb1: {  	_ =	task.clear_ibuf [dreg:s7], $0x5FFFF;
	_ =	strace $0x90000046  }
0xb2: {  	s29 =	simm.s32 $0x9;
	_ =	strace $0x80000048  }
0xb3: {  	_ =	swait.ge [sflag:s29], $0x1  }
0xb4: {  	[sflag:s29] =	ssyncadd.s32 $0xFFFFFFFF  }
0xb5: {  	_ =	strace $0x90000048  }
0xb6: {  	_ =	sfence  }
0xb7: {  	s30 =	sld [smem:$0x0];
	_ =	sdelay $0x2  }
0xb8: {  	s31 =	sshll.u32 s1, $0xD;
	s1 =	sshrl.u32 s1, $0x2  }
0xb9: {  	s3 =	sand.u32 $0x4000, s31;
	s1 =	sadd.s32 s1, s30  }
0xba: {  	s0 =	sor.u32 s3, s0;
	s1 =	sshll.u32 s1, $0x11  }
0xbb: {  	s0 =	sor.u32 s1, s0  }
0xbc: {  	s0 =	sadd.s32 $0x8F2B, s0  }
0xbd: {  	[sflag:s0] =	ssyncadd.remote.s32 $0x1  }
0xbe: {  	_ =	sfence.sel $0xFFFF  }
0xbf: {  	[dreg:$0x0] =	wrdreg $0xFFFFFFFF;
	(pc) =	sbr.abs _section_cstart, $3  }
0xc0: {  	[dreg:$0x1] =	wrdreg $0xFFFFFFFF  }
0xc1: {  	_ =	task.clear_ibuf [dreg:s7], $0x2FFFF;
	_ =	strace $0x9FFFFFFF  }
0xc2: {  	(tm) =	ssettm $0x7FFFFFFF  }
0xc3: {  	_ =	shalt  }
tec
execute0_lowered:
.L_overlay_start_1:
0x0: {  	(tag) =	ssettag $0x1  }
0x1: {  	s6 =	rddreg [dreg:$0x0]  }
0x2: {  	s2 =	rddreg [dreg:$0x1]  }
0x3: {  	s0 =	rddreg [dreg:$0x2]  }
0x4: {  	s3 =	simm.s32 $0x0;
	s4 =	srdreg.scid;
	s1 =	stileid.u32  }
0x5: {  	s13 =	simm.s32 $0x8;
	s14 =	simm.s32 $0xC8;
	s15 =	simm.s32 $0x100  }
0x6: {  	s16 =	simm.s32 $0x1000;
	s17 =	simm.s32 $0x20000;
	s18 =	simm.s32 $0x2100  }
0x7: {  	s19 =	simm.s32 $0x1100;
	s20 =	simm.s32 $0xA100;
	s21 =	simm.s32 $0x1  }
0x8: {  	s22 =	simm.s32 $0x2;
	s23 =	simm.s32 $0x0;
	[smem:$0x7FF] =	sst s3  }
0x9: {  	s4 =	sand.u32 $0x1, s4;
	s5 =	sshll.u32 s1, $0x1;
	_ =	strace $0x80000047  }
0xa: {  	s7 =	ssub.s32 $0x2, s4;
	s8 =	sor.u32 s4, s5;
	s4 =	sadd.s32 $0x600, s6  }
0xb: {  	s6 =	sadd.s32 $0x400, s6;
	s9 =	sshrl.u32 s7, $0x1;
	s5 =	smul.u32 $0x19000, s8  }
0xc: {  	s30 =	smul.u32 $0x3200, s8;
	s12 =	sshll.u32 s8, $0x9;
	s11 =	ssub.s32 s7, s9  }
0xd: {  	s7 =	sshll.u32 s8, $0xC;
	s31 =	sadd.s32 s12, s2;
	s12 =	simm.s32 $0x3  }
0xe: {  	v0 =	vlaneseq.u32;
	s10 =	sshrl.u32 s5, $0x3;
	s9 =	sadd.s32 s30, s4;
	s11 =	smax.u32 s11, $0x1  }
0xf: {  	v0 =	vmul.u32 $0x8, v0;
	s8 =	sadd.s32 s4, s10;
	s9 =	sadd.s32 $0x18, s9;
	s10 =	sadd.s32 $0x300000, s31  }
.LBB2_1:
0x10: {  	[tilespmem:s3], [sflag:$0x3] =	stream.linear.gather [hbm4b:s6+s3], $0x100, $0x38;
	[tilespmem:$0x12100] =	vst v63  }
0x11: {  	_ =	swait.ge [sflag:s12], $0x100  }
0x12: {  	[sflag:s12] =	ssyncset.done $0x0  }
0x13: {  	s24 =	simm.s32 $0x0;
	[sflag:s12] =	ssyncadd.s32 $0xFFFFFF00  }
.LBB2_2:
0x14: {  	s25 =	sshll.u32 s24, $0x4  }
0x15: {  	s25 =	sadd.s32 s5, s25  }
0x16: {  	s25 =	sshrl.u32 s25, $0x3  }
0x17: {  	s25 =	sadd.s32 s4, s25  }
0x18: {  	[tilespmem:s15], [sflag:$0x3] =	stream.strided.gather [hbm4b:s25+s13], $0x1000, s14, s13, $0x38;
	[tilespmem:$0x12100] =	vst v63  }
0x19: {  	_ =	swait.ge [sflag:s12], $0x1000  }
0x1a: {  	p0 =	seq.s32 s24, $0x0;
	[sflag:s12] =	ssyncset.done $0x0  }
0x1b: {  	s26 =	simm.s32 @!p0 $0x1;
	[sflag:s12] =	ssyncadd.s32 $0xFFFFF000  }
0x1c: {  	_ =	swait.ge @!p0 [sflag:s26], $0x8000  }
0x1d: {  	s28 =	simm.s32 $0x2900;
	[sflag:s26] =	ssyncset.done @!p0 $0x0  }
0x1e: {  	s25 =	sshll.u32 s24, $0x1;
	[sflag:s26] =	ssyncadd.s32 @!p0 $0xFFFF8000;
	s26 =	simm.s32 $0x0  }
.LBB2_3:
0x1f: {  	v1 =	vmov s26  }
0x20: {  	v1 =	vand.u32 $0x7, v1  }
0x21: {  	s29 =	smov.u32 s28;
	s30 =	simm.s32 $0x0;
	v1 =	vbroadcast v1, $0x0  }
.LBB2_4:
0x22: {  	v2 =	vmov s30  }
0x23: {  	v2 =	vshll.u32 v2, $0x3  }
0x24: {  	v2 =	vor.u32 v0, v2  }
0x25: {  	v2 =	vor.u32 v1, v2;
	_ =	sdelay $0x2  }
0x26: {  	s31 =	sadd.s32 $0x80, s30  }
0x27: {  	v3 =	vmov s31;
	s31 =	sadd.s32 $0x100, s30  }
0x28: {  	v3 =	vshll.u32 v3, $0x3;
	v4 =	vmov s31;
	s31 =	sadd.s32 $0x180, s30;
	v2 =	vld.idx.msk [tilespmem:v2+s15+$0x0], $0xffff  }
0x29: {  	v3 =	vor.u32 v0, v3;
	v4 =	vshll.u32 v4, $0x3;
	v5 =	vmov s31  }
0x2a: {  	v3 =	vor.u32 v1, v3;
	v4 =	vor.u32 v0, v4;
	v5 =	vshll.u32 v5, $0x3  }
0x2b: {  	v4 =	vor.u32 v1, v4;
	v5 =	vor.u32 v0, v5  }
0x2c: {  	v5 =	vor.u32 v1, v5  }
0x2d: {  	v2 =	vshll.u32 v2, $0x3  }
0x2e: {  	v6 =	vor.u32 $0x1, v2  }
0x2f: {  	v3 =	vld.idx.msk [tilespmem:v3+s15+$0x0], $0xffff;
	v7 =	vor.u32 $0x2, v2  }
0x30: {  	v4 =	vld.idx.msk [tilespmem:v4+s15+$0x0], $0xffff;
	v8 =	vor.u32 $0x3, v2  }
0x31: {  	v5 =	vld.idx.msk [tilespmem:v5+s15+$0x0], $0xffff;
	v9 =	vor.u32 $0x4, v2  }
0x32: {  	v11 =	vor.u32 $0x5, v2;
	v10 =	vld.idx.msk [tilespmem:v2+s3+$0x0], $0xffff  }
0x33: {  	v12 =	vor.u32 $0x6, v2;
	v6 =	vld.idx.msk [tilespmem:v6+s3+$0x0], $0xffff  }
0x34: {  	v3 =	vshll.u32 v3, $0x3;
	v7 =	vld.idx.msk [tilespmem:v7+s3+$0x0], $0xffff  }
0x35: {  	v13 =	vor.u32 $0x1, v3;
	v8 =	vld.idx.msk [tilespmem:v8+s3+$0x0], $0xffff  }
0x36: {  	v14 =	vor.u32 $0x2, v3;
	v9 =	vld.idx.msk [tilespmem:v9+s3+$0x0], $0xffff  }
0x37: {  	v15 =	vor.u32 $0x3, v3;
	v11 =	vld.idx.msk [tilespmem:v11+s3+$0x0], $0xffff  }
0x38: {  	v16 =	vor.u32 $0x4, v3;
	v12 =	vld.idx.msk [tilespmem:v12+s3+$0x0], $0xffff  }
0x39: {  	v18 =	vor.u32 $0x5, v3;
	v17 =	vld.idx.msk [tilespmem:v3+s3+$0x0], $0xffff  }
0x3a: {  	v19 =	vor.u32 $0x6, v3;
	v13 =	vld.idx.msk [tilespmem:v13+s3+$0x0], $0xffff  }
0x3b: {  	v4 =	vshll.u32 v4, $0x3;
	v14 =	vld.idx.msk [tilespmem:v14+s3+$0x0], $0xffff  }
0x3c: {  	v20 =	vor.u32 $0x1, v4;
	v15 =	vld.idx.msk [tilespmem:v15+s3+$0x0], $0xffff  }
0x3d: {  	v21 =	vor.u32 $0x2, v4;
	v16 =	vld.idx.msk [tilespmem:v16+s3+$0x0], $0xffff  }
0x3e: {  	v22 =	vor.u32 $0x3, v4;
	v18 =	vld.idx.msk [tilespmem:v18+s3+$0x0], $0xffff  }
0x3f: {  	v23 =	vor.u32 $0x4, v4;
	v19 =	vld.idx.msk [tilespmem:v19+s3+$0x0], $0xffff  }
0x40: {  	v25 =	vor.u32 $0x5, v4;
	v24 =	vld.idx.msk [tilespmem:v4+s3+$0x0], $0xffff  }
0x41: {  	v26 =	vor.u32 $0x6, v4;
	v20 =	vld.idx.msk [tilespmem:v20+s3+$0x0], $0xffff  }
0x42: {  	v5 =	vshll.u32 v5, $0x3;
	v21 =	vld.idx.msk [tilespmem:v21+s3+$0x0], $0xffff  }
0x43: {  	v27 =	vor.u32 $0x1, v5;
	v22 =	vld.idx.msk [tilespmem:v22+s3+$0x0], $0xffff  }
0x44: {  	v28 =	vor.u32 $0x2, v5;
	v23 =	vld.idx.msk [tilespmem:v23+s3+$0x0], $0xffff  }
0x45: {  	v29 =	vor.u32 $0x3, v5;
	v25 =	vld.idx.msk [tilespmem:v25+s3+$0x0], $0xffff  }
0x46: {  	v30 =	vor.u32 $0x4, v5;
	v26 =	vld.idx.msk [tilespmem:v26+s3+$0x0], $0xffff  }
0x47: {  	v32 =	vor.u32 $0x5, v5;
	v31 =	vld.idx.msk [tilespmem:v5+s3+$0x0], $0xffff  }
0x48: {  	v33 =	vor.u32 $0x6, v5;
	v27 =	vld.idx.msk [tilespmem:v27+s3+$0x0], $0xffff  }
0x49: {  	v2 =	vor.u32 $0x7, v2;
	v28 =	vld.idx.msk [tilespmem:v28+s3+$0x0], $0xffff  }
0x4a: {  	v3 =	vor.u32 $0x7, v3;
	v29 =	vld.idx.msk [tilespmem:v29+s3+$0x0], $0xffff  }
0x4b: {  	v4 =	vor.u32 $0x7, v4;
	v30 =	vld.idx.msk [tilespmem:v30+s3+$0x0], $0xffff  }
0x4c: {  	v5 =	vor.u32 $0x7, v5;
	v32 =	vld.idx.msk [tilespmem:v32+s3+$0x0], $0xffff  }
0x4d: {  	v33 =	vld.idx.msk [tilespmem:v33+s3+$0x0], $0xffff  }
0x4e: {  	v2 =	vld.idx.msk [tilespmem:v2+s3+$0x0], $0xffff  }
0x4f: {  	v3 =	vld.idx.msk [tilespmem:v3+s3+$0x0], $0xffff  }
0x50: {  	v4 =	vld.idx.msk [tilespmem:v4+s3+$0x0], $0xffff  }
0x51: {  	v5 =	vld.idx.msk [tilespmem:v5+s3+$0x0], $0xffff;
	[tilespmem:s29+$0xFFFFF800] =	vst v10  }
0x52: {  	[tilespmem:s29+$0xFFFFF880] =	vst v6  }
0x53: {  	[tilespmem:s29+$0xFFFFF900] =	vst v7  }
0x54: {  	[tilespmem:s29+$0xFFFFF980] =	vst v8  }
0x55: {  	[tilespmem:s29+$0xFFFFFA00] =	vst v9  }
0x56: {  	[tilespmem:s29+$0xFFFFFA80] =	vst v11  }
0x57: {  	[tilespmem:s29+$0xFFFFFB00] =	vst v12  }
0x58: {  	[tilespmem:s29+$0xFFFFFC00] =	vst v17  }
0x59: {  	[tilespmem:s29+$0xFFFFFC80] =	vst v13  }
0x5a: {  	[tilespmem:s29+$0xFFFFFD00] =	vst v14  }
0x5b: {  	[tilespmem:s29+$0xFFFFFD80] =	vst v15  }
0x5c: {  	[tilespmem:s29+$0xFFFFFE00] =	vst v16  }
0x5d: {  	[tilespmem:s29+$0xFFFFFE80] =	vst v18  }
0x5e: {  	[tilespmem:s29+$0xFFFFFF00] =	vst v19  }
0x5f: {  	[tilespmem:s29+$0x0] =	vst v24  }
0x60: {  	[tilespmem:s29+$0x80] =	vst v20  }
0x61: {  	[tilespmem:s29+$0x100] =	vst v21  }
0x62: {  	[tilespmem:s29+$0x180] =	vst v22  }
0x63: {  	[tilespmem:s29+$0x200] =	vst v23  }
0x64: {  	[tilespmem:s29+$0x280] =	vst v25  }
0x65: {  	[tilespmem:s29+$0x300] =	vst v26  }
0x66: {  	[tilespmem:s29+$0x400] =	vst v31  }
0x67: {  	[tilespmem:s29+$0x480] =	vst v27  }
0x68: {  	[tilespmem:s29+$0x500] =	vst v28  }
0x69: {  	[tilespmem:s29+$0x580] =	vst v29  }
0x6a: {  	[tilespmem:s29+$0x600] =	vst v30  }
0x6b: {  	p1 =	sne.s32 s30, $0x70;
	[tilespmem:s29+$0x680] =	vst v32  }
.Ltmp0:
0x6c: {  	[tilespmem:s29+$0x700] =	vst v33;
	(pc) =	sbr.rel @p1 .LBB2_4-.Ltmp0, $4  }
0x6d: {  	[tilespmem:s29+$0xFFFFFB80] =	vst v2  }
0x6e: {  	[tilespmem:s29+$0xFFFFFF80] =	vst v3  }
0x6f: {  	[tilespmem:s29+$0x380] =	vst v4  }
0x70: {  	s30 =	sadd.s32 $0x10, s30;
	[tilespmem:s29+$0x780] =	vst v5;
	s29 =	sadd.s32 $0x10, s29  }
0x71: {  	s26 =	sadd.s32 $0x1, s26  }
0x72: {  	p1 =	sne.s32 s26, $0x8  }
.Ltmp1:
0x73: {  	_ = 	snop;
	(pc) =	sbr.rel @p1 .LBB2_3-.Ltmp1, $2  }
0x74: {  	_ =	sdelay $0x2  }
0x75: {  	s28 =	sadd.s32 $0x1000, s28  }
0x76: {  	s26 =	sshll.u32 s24, $0x15  }
0x77: {  	s26 =	sor.u32 s7, s26  }
0x78: {  	s26 =	sshrl.u32 s26, $0x3  }
0x79: {  	s25 =	sor.u32 $0x1, s25;
	s26 =	sadd.s32 s2, s26  }
0x7a: {  	[hbm4b:s26+s16] =	stream.strided.scatter [tilespmem:s18], [sflag:$0x1], $0x8000, s17, s16, $0x38;
	[tilespmem:$0x12100] =	vst v63  }
0x7b: {  	s31 =	sadd.s32 s25, s8  }
0x7c: {  	[tilespmem:s19], [sflag:$0x3] =	stream.strided.gather [hbm4b:s31+s13], $0x1000, s14, s13, $0x38;
	[tilespmem:$0x12100] =	vst v63  }
0x7d: {  	_ =	swait.ge [sflag:s12], $0x1000  }
0x7e: {  	[sflag:s12] =	ssyncset.done $0x0  }
0x7f: {  	s26 =	simm.s32 @!p0 $0x2;
	[sflag:s12] =	ssyncadd.s32 $0xFFFFF000  }
0x80: {  	_ =	swait.ge @!p0 [sflag:s26], $0x8000  }
0x81: {  	[sflag:s26] =	ssyncset.done @!p0 $0x0  }
0x82: {  	s28 =	simm.s32 $0xA900;
	[sflag:s26] =	ssyncadd.s32 @!p0 $0xFFFF8000;
	s26 =	simm.s32 $0x0  }
.LBB2_7:
0x83: {  	v1 =	vmov s26  }
0x84: {  	v1 =	vand.u32 $0x7, v1  }
0x85: {  	s29 =	smov.u32 s28;
	s30 =	simm.s32 $0x0;
	v1 =	vbroadcast v1, $0x0  }
.LBB2_8:
0x86: {  	v2 =	vmov s30  }
0x87: {  	v2 =	vshll.u32 v2, $0x3  }
0x88: {  	v2 =	vor.u32 v0, v2  }
0x89: {  	v2 =	vor.u32 v1, v2;
	_ =	sdelay $0x2  }
0x8a: {  	s31 =	sadd.s32 $0x80, s30  }
0x8b: {  	v3 =	vmov s31;
	s31 =	sadd.s32 $0x100, s30  }
0x8c: {  	v3 =	vshll.u32 v3, $0x3;
	v4 =	vmov s31;
	s31 =	sadd.s32 $0x180, s30;
	v2 =	vld.idx.msk [tilespmem:v2+s19+$0x0], $0xffff  }
0x8d: {  	v3 =	vor.u32 v0, v3;
	v4 =	vshll.u32 v4, $0x3;
	v5 =	vmov s31  }
0x8e: {  	v3 =	vor.u32 v1, v3;
	v4 =	vor.u32 v0, v4;
	v5 =	vshll.u32 v5, $0x3  }
0x8f: {  	v4 =	vor.u32 v1, v4;
	v5 =	vor.u32 v0, v5  }
0x90: {  	v5 =	vor.u32 v1, v5  }
0x91: {  	v2 =	vshll.u32 v2, $0x3  }
0x92: {  	v6 =	vor.u32 $0x1, v2  }
0x93: {  	v3 =	vld.idx.msk [tilespmem:v3+s19+$0x0], $0xffff;
	v7 =	vor.u32 $0x2, v2  }
0x94: {  	v4 =	vld.idx.msk [tilespmem:v4+s19+$0x0], $0xffff;
	v8 =	vor.u32 $0x3, v2  }
0x95: {  	v5 =	vld.idx.msk [tilespmem:v5+s19+$0x0], $0xffff;
	v9 =	vor.u32 $0x4, v2  }
0x96: {  	v11 =	vor.u32 $0x5, v2;
	v10 =	vld.idx.msk [tilespmem:v2+s3+$0x0], $0xffff  }
0x97: {  	v12 =	vor.u32 $0x6, v2;
	v6 =	vld.idx.msk [tilespmem:v6+s3+$0x0], $0xffff  }
0x98: {  	v3 =	vshll.u32 v3, $0x3;
	v7 =	vld.idx.msk [tilespmem:v7+s3+$0x0], $0xffff  }
0x99: {  	v13 =	vor.u32 $0x1, v3;
	v8 =	vld.idx.msk [tilespmem:v8+s3+$0x0], $0xffff  }
0x9a: {  	v14 =	vor.u32 $0x2, v3;
	v9 =	vld.idx.msk [tilespmem:v9+s3+$0x0], $0xffff  }
0x9b: {  	v15 =	vor.u32 $0x3, v3;
	v11 =	vld.idx.msk [tilespmem:v11+s3+$0x0], $0xffff  }
0x9c: {  	v16 =	vor.u32 $0x4, v3;
	v12 =	vld.idx.msk [tilespmem:v12+s3+$0x0], $0xffff  }
0x9d: {  	v18 =	vor.u32 $0x5, v3;
	v17 =	vld.idx.msk [tilespmem:v3+s3+$0x0], $0xffff  }
0x9e: {  	v19 =	vor.u32 $0x6, v3;
	v13 =	vld.idx.msk [tilespmem:v13+s3+$0x0], $0xffff  }
0x9f: {  	v4 =	vshll.u32 v4, $0x3;
	v14 =	vld.idx.msk [tilespmem:v14+s3+$0x0], $0xffff  }
0xa0: {  	v20 =	vor.u32 $0x1, v4;
	v15 =	vld.idx.msk [tilespmem:v15+s3+$0x0], $0xffff  }
0xa1: {  	v21 =	vor.u32 $0x2, v4;
	v16 =	vld.idx.msk [tilespmem:v16+s3+$0x0], $0xffff  }
0xa2: {  	v22 =	vor.u32 $0x3, v4;
	v18 =	vld.idx.msk [tilespmem:v18+s3+$0x0], $0xffff  }
0xa3: {  	v23 =	vor.u32 $0x4, v4;
	v19 =	vld.idx.msk [tilespmem:v19+s3+$0x0], $0xffff  }
0xa4: {  	v25 =	vor.u32 $0x5, v4;
	v24 =	vld.idx.msk [tilespmem:v4+s3+$0x0], $0xffff  }
0xa5: {  	v26 =	vor.u32 $0x6, v4;
	v20 =	vld.idx.msk [tilespmem:v20+s3+$0x0], $0xffff  }
0xa6: {  	v5 =	vshll.u32 v5, $0x3;
	v21 =	vld.idx.msk [tilespmem:v21+s3+$0x0], $0xffff  }
0xa7: {  	v27 =	vor.u32 $0x1, v5;
	v22 =	vld.idx.msk [tilespmem:v22+s3+$0x0], $0xffff  }
0xa8: {  	v28 =	vor.u32 $0x2, v5;
	v23 =	vld.idx.msk [tilespmem:v23+s3+$0x0], $0xffff  }
0xa9: {  	v29 =	vor.u32 $0x3, v5;
	v25 =	vld.idx.msk [tilespmem:v25+s3+$0x0], $0xffff  }
0xaa: {  	v30 =	vor.u32 $0x4, v5;
	v26 =	vld.idx.msk [tilespmem:v26+s3+$0x0], $0xffff  }
0xab: {  	v32 =	vor.u32 $0x5, v5;
	v31 =	vld.idx.msk [tilespmem:v5+s3+$0x0], $0xffff  }
0xac: {  	v33 =	vor.u32 $0x6, v5;
	v27 =	vld.idx.msk [tilespmem:v27+s3+$0x0], $0xffff  }
0xad: {  	v2 =	vor.u32 $0x7, v2;
	v28 =	vld.idx.msk [tilespmem:v28+s3+$0x0], $0xffff  }
0xae: {  	v3 =	vor.u32 $0x7, v3;
	v29 =	vld.idx.msk [tilespmem:v29+s3+$0x0], $0xffff  }
0xaf: {  	v4 =	vor.u32 $0x7, v4;
	v30 =	vld.idx.msk [tilespmem:v30+s3+$0x0], $0xffff  }
0xb0: {  	v5 =	vor.u32 $0x7, v5;
	v32 =	vld.idx.msk [tilespmem:v32+s3+$0x0], $0xffff  }
0xb1: {  	v33 =	vld.idx.msk [tilespmem:v33+s3+$0x0], $0xffff  }
0xb2: {  	v2 =	vld.idx.msk [tilespmem:v2+s3+$0x0], $0xffff  }
0xb3: {  	v3 =	vld.idx.msk [tilespmem:v3+s3+$0x0], $0xffff  }
0xb4: {  	v4 =	vld.idx.msk [tilespmem:v4+s3+$0x0], $0xffff  }
0xb5: {  	v5 =	vld.idx.msk [tilespmem:v5+s3+$0x0], $0xffff;
	[tilespmem:s29+$0xFFFFF800] =	vst v10  }
0xb6: {  	[tilespmem:s29+$0xFFFFF880] =	vst v6  }
0xb7: {  	[tilespmem:s29+$0xFFFFF900] =	vst v7  }
0xb8: {  	[tilespmem:s29+$0xFFFFF980] =	vst v8  }
0xb9: {  	[tilespmem:s29+$0xFFFFFA00] =	vst v9  }
0xba: {  	[tilespmem:s29+$0xFFFFFA80] =	vst v11  }
0xbb: {  	[tilespmem:s29+$0xFFFFFB00] =	vst v12  }
0xbc: {  	[tilespmem:s29+$0xFFFFFC00] =	vst v17  }
0xbd: {  	[tilespmem:s29+$0xFFFFFC80] =	vst v13  }
0xbe: {  	[tilespmem:s29+$0xFFFFFD00] =	vst v14  }
0xbf: {  	[tilespmem:s29+$0xFFFFFD80] =	vst v15  }
0xc0: {  	[tilespmem:s29+$0xFFFFFE00] =	vst v16  }
0xc1: {  	[tilespmem:s29+$0xFFFFFE80] =	vst v18  }
0xc2: {  	[tilespmem:s29+$0xFFFFFF00] =	vst v19  }
0xc3: {  	[tilespmem:s29+$0x0] =	vst v24  }
0xc4: {  	[tilespmem:s29+$0x80] =	vst v20  }
0xc5: {  	[tilespmem:s29+$0x100] =	vst v21  }
0xc6: {  	[tilespmem:s29+$0x180] =	vst v22  }
0xc7: {  	[tilespmem:s29+$0x200] =	vst v23  }
0xc8: {  	[tilespmem:s29+$0x280] =	vst v25  }
0xc9: {  	[tilespmem:s29+$0x300] =	vst v26  }
0xca: {  	[tilespmem:s29+$0x400] =	vst v31  }
0xcb: {  	[tilespmem:s29+$0x480] =	vst v27  }
0xcc: {  	[tilespmem:s29+$0x500] =	vst v28  }
0xcd: {  	[tilespmem:s29+$0x580] =	vst v29  }
0xce: {  	[tilespmem:s29+$0x600] =	vst v30  }
0xcf: {  	p0 =	sne.s32 s30, $0x70;
	[tilespmem:s29+$0x680] =	vst v32  }
.Ltmp2:
0xd0: {  	[tilespmem:s29+$0x700] =	vst v33;
	(pc) =	sbr.rel @p0 .LBB2_8-.Ltmp2, $4  }
0xd1: {  	[tilespmem:s29+$0xFFFFFB80] =	vst v2  }
0xd2: {  	[tilespmem:s29+$0xFFFFFF80] =	vst v3  }
0xd3: {  	[tilespmem:s29+$0x380] =	vst v4  }
0xd4: {  	s30 =	sadd.s32 $0x10, s30;
	[tilespmem:s29+$0x780] =	vst v5;
	s29 =	sadd.s32 $0x10, s29  }
0xd5: {  	s26 =	sadd.s32 $0x1, s26  }
0xd6: {  	p0 =	sne.s32 s26, $0x8  }
.Ltmp3:
0xd7: {  	_ = 	snop;
	(pc) =	sbr.rel @p0 .LBB2_7-.Ltmp3, $2  }
0xd8: {  	_ =	sdelay $0x2  }
0xd9: {  	s28 =	sadd.s32 $0x1000, s28  }
0xda: {  	s24 =	sadd.s32 $0x1, s24  }
0xdb: {  	p0 =	sne.s32 s24, $0xC  }
.Ltmp4:
0xdc: {  	s25 =	sshll.u32 s25, $0x14;
	(pc) =	sbr.rel @p0 .LBB2_2-.Ltmp4, $4  }
0xdd: {  	s25 =	sor.u32 s7, s25  }
0xde: {  	s25 =	sshrl.u32 s25, $0x3  }
0xdf: {  	s25 =	sadd.s32 s2, s25  }
0xe0: {  	[hbm4b:s25+s16] =	stream.strided.scatter [tilespmem:s20], [sflag:$0x2], $0x8000, s17, s16, $0x38;
	[tilespmem:$0x12100] =	vst v63  }
0xe1: {  	_ =	swait.ge [sflag:s21], $0x8000  }
0xe2: {  	[sflag:s21] =	ssyncset.done $0x0  }
0xe3: {  	[sflag:s21] =	ssyncadd.s32 $0xFFFF8000  }
0xe4: {  	[tilespmem:s15], [sflag:$0x3] =	stream.strided.gather [hbm4b:s9+s13], $0x1000, s14, s13, $0x38;
	[tilespmem:$0x12100] =	vst v63  }
0xe5: {  	_ =	swait.ge [sflag:s12], $0x1000  }
0xe6: {  	[sflag:s12] =	ssyncset.done $0x0  }
0xe7: {  	s24 =	simm.s32 $0x0;
	s25 =	simm.s32 $0x2900;
	[sflag:s12] =	ssyncadd.s32 $0xFFFFF000  }
.LBB2_12:
0xe8: {  	v1 =	vmov s24  }
0xe9: {  	v1 =	vand.u32 $0x7, v1  }
0xea: {  	s26 =	smov.u32 s25;
	s28 =	simm.s32 $0x0;
	v1 =	vbroadcast v1, $0x0  }
.LBB2_13:
0xeb: {  	v2 =	vmov s28  }
0xec: {  	v2 =	vshll.u32 v2, $0x3  }
0xed: {  	v2 =	vor.u32 v0, v2  }
0xee: {  	v2 =	vor.u32 v1, v2;
	_ =	sdelay $0x2  }
0xef: {  	s29 =	sadd.s32 $0x80, s28  }
0xf0: {  	s30 =	sadd.s32 $0x100, s28;
	v3 =	vmov s29  }
0xf1: {  	s31 =	sadd.s32 $0x180, s28;
	v4 =	vmov s30;
	v3 =	vshll.u32 v3, $0x3;
	v2 =	vld.idx.msk [tilespmem:v2+s15+$0x0], $0xffff  }
0xf2: {  	v5 =	vmov s31;
	v4 =	vshll.u32 v4, $0x3;
	v3 =	vor.u32 v0, v3  }
0xf3: {  	v5 =	vshll.u32 v5, $0x3;
	v4 =	vor.u32 v0, v4;
	v3 =	vor.u32 v1, v3  }
0xf4: {  	v5 =	vor.u32 v0, v5;
	v4 =	vor.u32 v1, v4  }
0xf5: {  	v5 =	vor.u32 v1, v5  }
0xf6: {  	v2 =	vshll.u32 v2, $0x3  }
0xf7: {  	v6 =	vor.u32 $0x1, v2  }
0xf8: {  	v3 =	vld.idx.msk [tilespmem:v3+s15+$0x0], $0xffff;
	v7 =	vor.u32 $0x2, v2  }
0xf9: {  	v4 =	vld.idx.msk [tilespmem:v4+s15+$0x0], $0xffff;
	v8 =	vor.u32 $0x3, v2  }
0xfa: {  	v5 =	vld.idx.msk [tilespmem:v5+s15+$0x0], $0xffff;
	v9 =	vor.u32 $0x4, v2  }
0xfb: {  	v11 =	vor.u32 $0x5, v2;
	v10 =	vld.idx.msk [tilespmem:v2+s3+$0x0], $0xffff  }
0xfc: {  	v12 =	vor.u32 $0x6, v2;
	v6 =	vld.idx.msk [tilespmem:v6+s3+$0x0], $0xffff  }
0xfd: {  	v3 =	vshll.u32 v3, $0x3;
	v7 =	vld.idx.msk [tilespmem:v7+s3+$0x0], $0xffff  }
0xfe: {  	v4 =	vshll.u32 v4, $0x3;
	v8 =	vld.idx.msk [tilespmem:v8+s3+$0x0], $0xffff  }
0xff: {  	v5 =	vshll.u32 v5, $0x3;
	v9 =	vld.idx.msk [tilespmem:v9+s3+$0x0], $0xffff  }
0x100: {  	v13 =	vor.u32 $0x1, v3;
	v11 =	vld.idx.msk [tilespmem:v11+s3+$0x0], $0xffff  }
0x101: {  	v14 =	vor.u32 $0x2, v3;
	v12 =	vld.idx.msk [tilespmem:v12+s3+$0x0], $0xffff  }
0x102: {  	v15 =	vor.u32 $0x3, v3;
	v17 =	vld.idx.msk [tilespmem:v3+s3+$0x0], $0xffff  }
0x103: {  	v16 =	vor.u32 $0x4, v3;
	v24 =	vld.idx.msk [tilespmem:v4+s3+$0x0], $0xffff  }
0x104: {  	v18 =	vor.u32 $0x5, v3;
	v31 =	vld.idx.msk [tilespmem:v5+s3+$0x0], $0xffff  }
0x105: {  	v19 =	vor.u32 $0x6, v3;
	v13 =	vld.idx.msk [tilespmem:v13+s3+$0x0], $0xffff  }
0x106: {  	v20 =	vor.u32 $0x1, v4;
	v14 =	vld.idx.msk [tilespmem:v14+s3+$0x0], $0xffff  }
0x107: {  	v21 =	vor.u32 $0x2, v4;
	v15 =	vld.idx.msk [tilespmem:v15+s3+$0x0], $0xffff  }
0x108: {  	v22 =	vor.u32 $0x3, v4;
	v16 =	vld.idx.msk [tilespmem:v16+s3+$0x0], $0xffff  }
0x109: {  	v23 =	vor.u32 $0x4, v4;
	v18 =	vld.idx.msk [tilespmem:v18+s3+$0x0], $0xffff  }
0x10a: {  	v25 =	vor.u32 $0x5, v4;
	v19 =	vld.idx.msk [tilespmem:v19+s3+$0x0], $0xffff  }
0x10b: {  	v26 =	vor.u32 $0x6, v4;
	v20 =	vld.idx.msk [tilespmem:v20+s3+$0x0], $0xffff  }
0x10c: {  	v27 =	vor.u32 $0x1, v5;
	v21 =	vld.idx.msk [tilespmem:v21+s3+$0x0], $0xffff  }
0x10d: {  	v28 =	vor.u32 $0x2, v5;
	v22 =	vld.idx.msk [tilespmem:v22+s3+$0x0], $0xffff  }
0x10e: {  	v29 =	vor.u32 $0x3, v5;
	v23 =	vld.idx.msk [tilespmem:v23+s3+$0x0], $0xffff  }
0x10f: {  	v30 =	vor.u32 $0x4, v5;
	v25 =	vld.idx.msk [tilespmem:v25+s3+$0x0], $0xffff  }
0x110: {  	v32 =	vor.u32 $0x5, v5;
	v26 =	vld.idx.msk [tilespmem:v26+s3+$0x0], $0xffff  }
0x111: {  	v33 =	vor.u32 $0x6, v5;
	v27 =	vld.idx.msk [tilespmem:v27+s3+$0x0], $0xffff  }
0x112: {  	v2 =	vor.u32 $0x7, v2;
	v28 =	vld.idx.msk [tilespmem:v28+s3+$0x0], $0xffff  }
0x113: {  	v3 =	vor.u32 $0x7, v3;
	v29 =	vld.idx.msk [tilespmem:v29+s3+$0x0], $0xffff  }
0x114: {  	v4 =	vor.u32 $0x7, v4;
	v30 =	vld.idx.msk [tilespmem:v30+s3+$0x0], $0xffff  }
0x115: {  	v5 =	vor.u32 $0x7, v5;
	v32 =	vld.idx.msk [tilespmem:v32+s3+$0x0], $0xffff  }
0x116: {  	v33 =	vld.idx.msk [tilespmem:v33+s3+$0x0], $0xffff  }
0x117: {  	v2 =	vld.idx.msk [tilespmem:v2+s3+$0x0], $0xffff  }
0x118: {  	v3 =	vld.idx.msk [tilespmem:v3+s3+$0x0], $0xffff  }
0x119: {  	v4 =	vld.idx.msk [tilespmem:v4+s3+$0x0], $0xffff  }
0x11a: {  	v5 =	vld.idx.msk [tilespmem:v5+s3+$0x0], $0xffff;
	[tilespmem:s26+$0xFFFFF800] =	vst v10  }
0x11b: {  	[tilespmem:s26+$0xFFFFF880] =	vst v6  }
0x11c: {  	[tilespmem:s26+$0xFFFFF900] =	vst v7  }
0x11d: {  	[tilespmem:s26+$0xFFFFF980] =	vst v8  }
0x11e: {  	[tilespmem:s26+$0xFFFFFA00] =	vst v9  }
0x11f: {  	[tilespmem:s26+$0xFFFFFA80] =	vst v11  }
0x120: {  	[tilespmem:s26+$0xFFFFFB00] =	vst v12  }
0x121: {  	[tilespmem:s26+$0xFFFFFC00] =	vst v17  }
0x122: {  	[tilespmem:s26+$0x0] =	vst v24  }
0x123: {  	[tilespmem:s26+$0x400] =	vst v31  }
0x124: {  	[tilespmem:s26+$0xFFFFFC80] =	vst v13  }
0x125: {  	[tilespmem:s26+$0xFFFFFD00] =	vst v14  }
0x126: {  	[tilespmem:s26+$0xFFFFFD80] =	vst v15  }
0x127: {  	[tilespmem:s26+$0xFFFFFE00] =	vst v16  }
0x128: {  	[tilespmem:s26+$0xFFFFFE80] =	vst v18  }
0x129: {  	[tilespmem:s26+$0xFFFFFF00] =	vst v19  }
0x12a: {  	[tilespmem:s26+$0x80] =	vst v20  }
0x12b: {  	[tilespmem:s26+$0x100] =	vst v21  }
0x12c: {  	[tilespmem:s26+$0x180] =	vst v22  }
0x12d: {  	[tilespmem:s26+$0x200] =	vst v23  }
0x12e: {  	[tilespmem:s26+$0x280] =	vst v25  }
0x12f: {  	[tilespmem:s26+$0x300] =	vst v26  }
0x130: {  	[tilespmem:s26+$0x480] =	vst v27  }
0x131: {  	[tilespmem:s26+$0x500] =	vst v28  }
0x132: {  	[tilespmem:s26+$0x580] =	vst v29  }
0x133: {  	[tilespmem:s26+$0x600] =	vst v30  }
0x134: {  	p0 =	sne.s32 s28, $0x70;
	[tilespmem:s26+$0x680] =	vst v32  }
.Ltmp5:
0x135: {  	[tilespmem:s26+$0x700] =	vst v33;
	(pc) =	sbr.rel @p0 .LBB2_13-.Ltmp5, $4  }
0x136: {  	[tilespmem:s26+$0xFFFFFB80] =	vst v2  }
0x137: {  	[tilespmem:s26+$0xFFFFFF80] =	vst v3  }
0x138: {  	[tilespmem:s26+$0x380] =	vst v4  }
0x139: {  	s28 =	sadd.s32 $0x10, s28;
	[tilespmem:s26+$0x780] =	vst v5;
	s26 =	sadd.s32 $0x10, s26  }
0x13a: {  	s24 =	sadd.s32 $0x1, s24  }
0x13b: {  	p0 =	sne.s32 s24, $0x8  }
.Ltmp6:
0x13c: {  	_ = 	snop;
	(pc) =	sbr.rel @p0 .LBB2_12-.Ltmp6, $2  }
0x13d: {  	_ =	sdelay $0x2  }
0x13e: {  	s25 =	sadd.s32 $0x1000, s25  }
0x13f: {  	[hbm4b:s10+s16] =	stream.strided.scatter [tilespmem:s18], [sflag:$0x1], $0x8000, s17, s16, $0x38;
	[tilespmem:$0x12100] =	vst v63  }
0x140: {  	s23 =	sadd.s32 $0x1, s23  }
0x141: {  	_ =	swait.ge [sflag:s22], $0x8000;
	p0 =	sne.s32 s23, s11  }
.Ltmp7:
0x142: {  	[sflag:s22] =	ssyncset.done $0x0;
	(pc) =	sbr.rel @p0 .LBB2_1-.Ltmp7, $4  }
0x143: {  	[sflag:s22] =	ssyncadd.s32 $0xFFFF8000  }
0x144: {  	_ =	swait.ge [sflag:s21], $0x8000  }
0x145: {  	[sflag:s21] =	ssyncset.done $0x0  }
0x146: {  	[sflag:s21] =	ssyncadd.s32 $0xFFFF8000  }
0x147: {  	_ =	sfence.sel $0x180000  }
0x148: {  	[bflag:$0x0] =	sbarrier.arrive $0xFFFF  }
0x149: {  	p0 =	sne.s32 s1, $0x0;
	_ =	strace $0x90000047  }
0x14a: {  	s0 =	sadd.s32 @!p0 $0x100000, s0;
	[bflag:$0x2] =	sbarrier.arrive $0xFFFF  }
0x14b: {  	[sflag:s0] =	ssyncadd.tile.s32 @!p0 $0x1;
	_ =	shalt  }
.Lfunc_end2:
_tile_overlayer_lowered:
.L_overlay_start_2:
0x14c: {  	(tag) =	ssettag $0x2  }
0x14d: {  	s0 =	rddreg [dreg:$0x0];
	s2 =	stileid.u32  }
0x14e: {  	s1 =	rddreg [dreg:$0x1];
	p0 =	sne.s32 s2, $0x0  }
0x14f: {  	s3 =	rddreg [dreg:$0x2];
	[bflag:$0x3] =	sbarrier.arrive $0xFFFF;
	s2 =	simm.s32 @!p0 $0x1C03  }
0x150: {  	[timem:s3], [sflag:s2] =	dma.local @!p0 [hbm:s0], s1  }
0x151: {  	s0 =	simm.s32 @!p0 $0x3  }
0x152: {  	_ =	swait.ge @!p0 [sflag:s0], s1  }
0x153: {  	s1 =	ssub.s32 @!p0 $0x0, s1;
	[sflag:s0] =	ssyncset.done @!p0 $0x0  }
0x154: {  	[sflag:s0] =	ssyncadd.s32 @!p0 s1  }
0x155: {  	[bflag:$0x3] =	sbarrier.arrive $0xFFFF  }
0x156: {  	_ =	shalt  }

</sc_bundles>
